<compile_context>
chip_gen: v7x
topology: tpu7x:2x2x1
jax: 0.10.2.dev20260603
libtpu: 0.0.44.dev20260713+nightly
codegen_flags: <defaults>
</compile_context>

<pallas_src>
import functools

import jax
import jax.numpy as jnp
from jax import lax
from jax.experimental import pallas as pl
from jax.experimental.pallas import tpu as pltpu
from jax.experimental.pallas import tpu_sc as plsc

_NC = 2
_NS = 16
_NW = _NC * _NS
_BUF_ROWS = 56
_CHUNKS = (56, 56, 56, 56, 32)


def _make_sc_copy(batch, seq_len, d_model):
    rows_per_w = seq_len // _NW
    assert sum(_CHUNKS) == rows_per_w
    nch = len(_CHUNKS)
    offs = [sum(_CHUNKS[:i]) for i in range(nch)]
    mesh = plsc.VectorSubcoreMesh(core_axis_name="c", subcore_axis_name="s")

    @functools.partial(
        pl.kernel,
        mesh=mesh,
        out_type=jax.ShapeDtypeStruct((batch * seq_len, d_model), jnp.float32),
        scratch_types=[
            pltpu.VMEM((_BUF_ROWS, d_model), jnp.float32),
            pltpu.VMEM((_BUF_ROWS, d_model), jnp.float32),
            pltpu.SemaphoreType.DMA,
            pltpu.SemaphoreType.DMA,
        ],
    )
    def sc_copy(table_hbm, out_hbm, buf0, buf1, insem, outsem):
        wid = lax.axis_index("s") * _NC + lax.axis_index("c")
        s0 = wid * rows_per_w
        bufs = (buf0, buf1)
        in_h = [None] * nch
        out_h = [None] * nch
        in_h[0] = pltpu.async_copy(
            table_hbm.at[pl.ds(s0, _CHUNKS[0])],
            buf0.at[pl.ds(0, _CHUNKS[0])],
            insem,
        )
        for c in range(nch):
            if c >= 1:
                for h in out_h[c - 1]:
                    h.wait()
            if c + 1 < nch:
                in_h[c + 1] = pltpu.async_copy(
                    table_hbm.at[pl.ds(s0 + offs[c + 1], _CHUNKS[c + 1])],
                    bufs[(c + 1) % 2].at[pl.ds(0, _CHUNKS[c + 1])],
                    insem,
                )
            in_h[c].wait()
            buf = bufs[c % 2]
            out_h[c] = [
                pltpu.async_copy(
                    buf.at[pl.ds(0, _CHUNKS[c])],
                    out_hbm.at[pl.ds(b * seq_len + s0 + offs[c], _CHUNKS[c])],
                    outsem,
                )
                for b in range(batch)
            ]
        for h in out_h[nch - 1]:
            h.wait()

    return sc_copy


def kernel(x, pos_embedding):
    batch, seq_len = x.shape
    max_len, d_model = pos_embedding.shape
    out_flat = _make_sc_copy(batch, seq_len, d_model)(pos_embedding)
    return out_flat.reshape(batch, seq_len, d_model)

# --- scband reference (transcript-rebuilt; emitter-appended) ---
"""Pipeline reference for scband-positional-embedding-4054449127619 (READ-ONLY COPY).

The authoritative reference and input builder live on the scoring server;
editing this copy changes nothing except your own understanding.
"""

import jax, jax.numpy as jnp
import numpy as np

MAX_LEN = 8192
D_MODEL = 1024
BATCH = 4
SEQ_LEN = 8192

def setup_inputs(seed: int = 0) -> dict:
    key = jax.random.key(seed)
    k1, k2 = jax.random.split(key)
    x = jax.random.randint(k1, (BATCH, SEQ_LEN), 0, MAX_LEN, dtype=jnp.int64) if jax.config.jax_enable_x64 else jax.random.randint(k1, (BATCH, SEQ_LEN), 0, MAX_LEN, dtype=jnp.int32)
    # nn.Embedding default init: N(0, 1)
    pos_embedding = jax.random.normal(k2, (MAX_LEN, D_MODEL), dtype=jnp.float32)
    return {"x": x, "pos_embedding": pos_embedding}

def reference(x, pos_embedding):
    seq_len = x.shape[1]
    positions = jnp.broadcast_to(jnp.arange(seq_len, dtype=jnp.int32)[None, :], x.shape)
    return jnp.take(pos_embedding, positions, axis=0)

if __name__ == "__main__":
    import jax
    _d = setup_inputs()
    print(jax.jit(kernel)(*tuple(_d.values())))

</pallas_src>

<mosaic_0001>
#map = affine_map<(d0, d1) -> (0, 0)>
module attributes {stable_mosaic.version = 14 : i64} {
  func.func @sc_copy(%arg0: i32, %arg1: i32, %arg2: memref<8192x1024xf32, #tpu.memory_space<hbm>>, %arg3: memref<32768x1024xf32, #tpu.memory_space<hbm>>, %arg4: memref<56x1024xf32, #tpu.memory_space<vmem>>, %arg5: memref<56x1024xf32, #tpu.memory_space<vmem>>, %arg6: memref<!tpu.dma_semaphore, #tpu.memory_space<semaphore_mem>>, %arg7: memref<!tpu.dma_semaphore, #tpu.memory_space<semaphore_mem>>) attributes {dimension_semantics = [#tpu.dimension_semantics<core_parallel>, #tpu.dimension_semantics<subcore_parallel>], iteration_bounds = array<i64: 2, 16>, scalar_prefetch = 0 : i64, scratch_operands = 4 : i64, tpu.core_type = #tpu.core_type<sc_vector_subcore>, window_params = [{transform_indices = #map}, {transform_indices = #map}]} {
    %mul3A = arith.constant 2 : i32
    %mul3A_0 = arith.muli %arg1, %mul3A : i32
    %add3A = arith.addi %mul3A_0, %arg0 : i32
    %mul3A_1 = arith.constant 256 : i32
    %mul3A_2 = arith.muli %add3A, %mul3A_1 : i32
    %dma_start3A = arith.constant 0 : i32
    %dma_start3A_3 = arith.constant 0 : i32
    %dma_start3A_4 = tpu.memref_slice %arg4[%dma_start3A, %dma_start3A_3] : memref<56x1024xf32, #tpu.memory_space<vmem>> -> memref<56x1024xf32, #tpu.memory_space<vmem>>
    %dma_start3A_5 = arith.constant 0 : i32
    %dma_start3A_6 = tpu.memref_slice %arg2[%mul3A_2, %dma_start3A_5] : memref<8192x1024xf32, #tpu.memory_space<hbm>> -> memref<56x1024xf32, #tpu.memory_space<hbm>>
    %dma_start3A_7 = arith.constant 0 : i32
    %dma_start3A_8 = arith.constant 0 : i32
    %dma_start3A_9 = tpu.memref_slice %arg4[%dma_start3A_7, %dma_start3A_8] : memref<56x1024xf32, #tpu.memory_space<vmem>> -> memref<56x1024xf32, #tpu.memory_space<vmem>>
    %dma_start3A_10 = arith.constant 0 : i32
    %dma_start3A_11 = tpu.memref_slice %arg2[%mul3A_2, %dma_start3A_10] : memref<8192x1024xf32, #tpu.memory_space<hbm>> -> memref<56x1024xf32, #tpu.memory_space<hbm>>
    tpu.enqueue_dma source(%dma_start3A_11 : memref<56x1024xf32, #tpu.memory_space<hbm>>) target(%dma_start3A_9 : memref<56x1024xf32, #tpu.memory_space<vmem>>) target_semaphore(%arg6 : memref<!tpu.dma_semaphore, #tpu.memory_space<semaphore_mem>>)
    %add3A_12 = arith.constant 56 : i32
    %add3A_13 = arith.addi %mul3A_2, %add3A_12 : i32
    %dma_start3A_14 = arith.constant 0 : i32
    %dma_start3A_15 = arith.constant 0 : i32
    %dma_start3A_16 = tpu.memref_slice %arg5[%dma_start3A_14, %dma_start3A_15] : memref<56x1024xf32, #tpu.memory_space<vmem>> -> memref<56x1024xf32, #tpu.memory_space<vmem>>
    %dma_start3A_17 = arith.constant 0 : i32
    %dma_start3A_18 = tpu.memref_slice %arg2[%add3A_13, %dma_start3A_17] : memref<8192x1024xf32, #tpu.memory_space<hbm>> -> memref<56x1024xf32, #tpu.memory_space<hbm>>
    %dma_start3A_19 = arith.constant 0 : i32
    %dma_start3A_20 = arith.constant 0 : i32
    %dma_start3A_21 = tpu.memref_slice %arg5[%dma_start3A_19, %dma_start3A_20] : memref<56x1024xf32, #tpu.memory_space<vmem>> -> memref<56x1024xf32, #tpu.memory_space<vmem>>
    %dma_start3A_22 = arith.constant 0 : i32
    %dma_start3A_23 = tpu.memref_slice %arg2[%add3A_13, %dma_start3A_22] : memref<8192x1024xf32, #tpu.memory_space<hbm>> -> memref<56x1024xf32, #tpu.memory_space<hbm>>
    tpu.enqueue_dma source(%dma_start3A_23 : memref<56x1024xf32, #tpu.memory_space<hbm>>) target(%dma_start3A_21 : memref<56x1024xf32, #tpu.memory_space<vmem>>) target_semaphore(%arg6 : memref<!tpu.dma_semaphore, #tpu.memory_space<semaphore_mem>>)
    %dma_wait3A = arith.constant 0 : i32
    %dma_wait3A_24 = arith.constant 0 : i32
    %dma_wait3A_25 = tpu.memref_slice %arg4[%dma_wait3A, %dma_wait3A_24] : memref<56x1024xf32, #tpu.memory_space<vmem>> -> memref<56x1024xf32, #tpu.memory_space<vmem>>
    %dma_wait3A_26 = arith.constant 0 : i32
    %dma_wait3A_27 = tpu.memref_slice %arg2[%mul3A_2, %dma_wait3A_26] : memref<8192x1024xf32, #tpu.memory_space<hbm>> -> memref<56x1024xf32, #tpu.memory_space<hbm>>
    %dma_wait3A_28 = arith.constant 0 : i32
    %dma_wait3A_29 = arith.constant 0 : i32
    %dma_wait3A_30 = tpu.memref_slice %arg4[%dma_wait3A_28, %dma_wait3A_29] : memref<56x1024xf32, #tpu.memory_space<vmem>> -> memref<56x1024xf32, #tpu.memory_space<vmem>>
    %dma_wait3A_31 = arith.constant 0 : i32
    %dma_wait3A_32 = tpu.memref_slice %arg2[%mul3A_2, %dma_wait3A_31] : memref<8192x1024xf32, #tpu.memory_space<hbm>> -> memref<56x1024xf32, #tpu.memory_space<hbm>>
    tpu.wait_dma2 semaphore(%arg6 : memref<!tpu.dma_semaphore, #tpu.memory_space<semaphore_mem>>) src(%dma_wait3A_32 : memref<56x1024xf32, #tpu.memory_space<hbm>>) dst(%dma_wait3A_30 : memref<56x1024xf32, #tpu.memory_space<vmem>>)
    %add3A_33 = arith.constant 0 : i32
    %add3A_34 = arith.addi %add3A_33, %mul3A_2 : i32
    %add3A_35 = arith.constant 0 : i32
    %add3A_36 = arith.addi %add3A_34, %add3A_35 : i32
    %dma_start3A_37 = arith.constant 0 : i32
    %dma_start3A_38 = arith.constant 0 : i32
    %dma_start3A_39 = tpu.memref_slice %arg4[%dma_start3A_37, %dma_start3A_38] : memref<56x1024xf32, #tpu.memory_space<vmem>> -> memref<56x1024xf32, #tpu.memory_space<vmem>>
    %dma_start3A_40 = arith.constant 0 : i32
    %dma_start3A_41 = tpu.memref_slice %arg3[%add3A_36, %dma_start3A_40] : memref<32768x1024xf32, #tpu.memory_space<hbm>> -> memref<56x1024xf32, #tpu.memory_space<hbm>>
    %dma_start3A_42 = arith.constant 0 : i32
    %dma_start3A_43 = tpu.memref_slice %arg3[%add3A_36, %dma_start3A_42] : memref<32768x1024xf32, #tpu.memory_space<hbm>> -> memref<56x1024xf32, #tpu.memory_space<hbm>>
    %dma_start3A_44 = arith.constant 0 : i32
    %dma_start3A_45 = arith.constant 0 : i32
    %dma_start3A_46 = tpu.memref_slice %arg4[%dma_start3A_44, %dma_start3A_45] : memref<56x1024xf32, #tpu.memory_space<vmem>> -> memref<56x1024xf32, #tpu.memory_space<vmem>>
    tpu.enqueue_dma source(%dma_start3A_46 : memref<56x1024xf32, #tpu.memory_space<vmem>>) target(%dma_start3A_43 : memref<56x1024xf32, #tpu.memory_space<hbm>>) target_semaphore(%arg7 : memref<!tpu.dma_semaphore, #tpu.memory_space<semaphore_mem>>)
    %add3A_47 = arith.constant 8192 : i32
    %add3A_48 = arith.addi %add3A_47, %mul3A_2 : i32
    %add3A_49 = arith.constant 0 : i32
    %add3A_50 = arith.addi %add3A_48, %add3A_49 : i32
    %dma_start3A_51 = arith.constant 0 : i32
    %dma_start3A_52 = arith.constant 0 : i32
    %dma_start3A_53 = tpu.memref_slice %arg4[%dma_start3A_51, %dma_start3A_52] : memref<56x1024xf32, #tpu.memory_space<vmem>> -> memref<56x1024xf32, #tpu.memory_space<vmem>>
    %dma_start3A_54 = arith.constant 0 : i32
    %dma_start3A_55 = tpu.memref_slice %arg3[%add3A_50, %dma_start3A_54] : memref<32768x1024xf32, #tpu.memory_space<hbm>> -> memref<56x1024xf32, #tpu.memory_space<hbm>>
    %dma_start3A_56 = arith.constant 0 : i32
    %dma_start3A_57 = tpu.memref_slice %arg3[%add3A_50, %dma_start3A_56] : memref<32768x1024xf32, #tpu.memory_space<hbm>> -> memref<56x1024xf32, #tpu.memory_space<hbm>>
    %dma_start3A_58 = arith.constant 0 : i32
    %dma_start3A_59 = arith.constant 0 : i32
    %dma_start3A_60 = tpu.memref_slice %arg4[%dma_start3A_58, %dma_start3A_59] : memref<56x1024xf32, #tpu.memory_space<vmem>> -> memref<56x1024xf32, #tpu.memory_space<vmem>>
    tpu.enqueue_dma source(%dma_start3A_60 : memref<56x1024xf32, #tpu.memory_space<vmem>>) target(%dma_start3A_57 : memref<56x1024xf32, #tpu.memory_space<hbm>>) target_semaphore(%arg7 : memref<!tpu.dma_semaphore, #tpu.memory_space<semaphore_mem>>)
    %add3A_61 = arith.constant 16384 : i32
    %add3A_62 = arith.addi %add3A_61, %mul3A_2 : i32
    %add3A_63 = arith.constant 0 : i32
    %add3A_64 = arith.addi %add3A_62, %add3A_63 : i32
    %dma_start3A_65 = arith.constant 0 : i32
    %dma_start3A_66 = arith.constant 0 : i32
    %dma_start3A_67 = tpu.memref_slice %arg4[%dma_start3A_65, %dma_start3A_66] : memref<56x1024xf32, #tpu.memory_space<vmem>> -> memref<56x1024xf32, #tpu.memory_space<vmem>>
    %dma_start3A_68 = arith.constant 0 : i32
    %dma_start3A_69 = tpu.memref_slice %arg3[%add3A_64, %dma_start3A_68] : memref<32768x1024xf32, #tpu.memory_space<hbm>> -> memref<56x1024xf32, #tpu.memory_space<hbm>>
    %dma_start3A_70 = arith.constant 0 : i32
    %dma_start3A_71 = tpu.memref_slice %arg3[%add3A_64, %dma_start3A_70] : memref<32768x1024xf32, #tpu.memory_space<hbm>> -> memref<56x1024xf32, #tpu.memory_space<hbm>>
    %dma_start3A_72 = arith.constant 0 : i32
    %dma_start3A_73 = arith.constant 0 : i32
    %dma_start3A_74 = tpu.memref_slice %arg4[%dma_start3A_72, %dma_start3A_73] : memref<56x1024xf32, #tpu.memory_space<vmem>> -> memref<56x1024xf32, #tpu.memory_space<vmem>>
    tpu.enqueue_dma source(%dma_start3A_74 : memref<56x1024xf32, #tpu.memory_space<vmem>>) target(%dma_start3A_71 : memref<56x1024xf32, #tpu.memory_space<hbm>>) target_semaphore(%arg7 : memref<!tpu.dma_semaphore, #tpu.memory_space<semaphore_mem>>)
    %add3A_75 = arith.constant 24576 : i32
    %add3A_76 = arith.addi %add3A_75, %mul3A_2 : i32
    %add3A_77 = arith.constant 0 : i32
    %add3A_78 = arith.addi %add3A_76, %add3A_77 : i32
    %dma_start3A_79 = arith.constant 0 : i32
    %dma_start3A_80 = arith.constant 0 : i32
    %dma_start3A_81 = tpu.memref_slice %arg4[%dma_start3A_79, %dma_start3A_80] : memref<56x1024xf32, #tpu.memory_space<vmem>> -> memref<56x1024xf32, #tpu.memory_space<vmem>>
    %dma_start3A_82 = arith.constant 0 : i32
    %dma_start3A_83 = tpu.memref_slice %arg3[%add3A_78, %dma_start3A_82] : memref<32768x1024xf32, #tpu.memory_space<hbm>> -> memref<56x1024xf32, #tpu.memory_space<hbm>>
    %dma_start3A_84 = arith.constant 0 : i32
    %dma_start3A_85 = tpu.memref_slice %arg3[%add3A_78, %dma_start3A_84] : memref<32768x1024xf32, #tpu.memory_space<hbm>> -> memref<56x1024xf32, #tpu.memory_space<hbm>>
    %dma_start3A_86 = arith.constant 0 : i32
    %dma_start3A_87 = arith.constant 0 : i32
    %dma_start3A_88 = tpu.memref_slice %arg4[%dma_start3A_86, %dma_start3A_87] : memref<56x1024xf32, #tpu.memory_space<vmem>> -> memref<56x1024xf32, #tpu.memory_space<vmem>>
    tpu.enqueue_dma source(%dma_start3A_88 : memref<56x1024xf32, #tpu.memory_space<vmem>>) target(%dma_start3A_85 : memref<56x1024xf32, #tpu.memory_space<hbm>>) target_semaphore(%arg7 : memref<!tpu.dma_semaphore, #tpu.memory_space<semaphore_mem>>)
    %dma_wait3A_89 = arith.constant 0 : i32
    %dma_wait3A_90 = arith.constant 0 : i32
    %dma_wait3A_91 = tpu.memref_slice %arg4[%dma_wait3A_89, %dma_wait3A_90] : memref<56x1024xf32, #tpu.memory_space<vmem>> -> memref<56x1024xf32, #tpu.memory_space<vmem>>
    %dma_wait3A_92 = arith.constant 0 : i32
    %dma_wait3A_93 = tpu.memref_slice %arg3[%add3A_36, %dma_wait3A_92] : memref<32768x1024xf32, #tpu.memory_space<hbm>> -> memref<56x1024xf32, #tpu.memory_space<hbm>>
    %dma_wait3A_94 = arith.constant 0 : i32
    %dma_wait3A_95 = tpu.memref_slice %arg3[%add3A_36, %dma_wait3A_94] : memref<32768x1024xf32, #tpu.memory_space<hbm>> -> memref<56x1024xf32, #tpu.memory_space<hbm>>
    %dma_wait3A_96 = arith.constant 0 : i32
    %dma_wait3A_97 = arith.constant 0 : i32
    %dma_wait3A_98 = tpu.memref_slice %arg4[%dma_wait3A_96, %dma_wait3A_97] : memref<56x1024xf32, #tpu.memory_space<vmem>> -> memref<56x1024xf32, #tpu.memory_space<vmem>>
    tpu.wait_dma2 semaphore(%arg7 : memref<!tpu.dma_semaphore, #tpu.memory_space<semaphore_mem>>) src(%dma_wait3A_98 : memref<56x1024xf32, #tpu.memory_space<vmem>>) dst(%dma_wait3A_95 : memref<56x1024xf32, #tpu.memory_space<hbm>>)
    %dma_wait3A_99 = arith.constant 0 : i32
    %dma_wait3A_100 = arith.constant 0 : i32
    %dma_wait3A_101 = tpu.memref_slice %arg4[%dma_wait3A_99, %dma_wait3A_100] : memref<56x1024xf32, #tpu.memory_space<vmem>> -> memref<56x1024xf32, #tpu.memory_space<vmem>>
    %dma_wait3A_102 = arith.constant 0 : i32
    %dma_wait3A_103 = tpu.memref_slice %arg3[%add3A_50, %dma_wait3A_102] : memref<32768x1024xf32, #tpu.memory_space<hbm>> -> memref<56x1024xf32, #tpu.memory_space<hbm>>
    %dma_wait3A_104 = arith.constant 0 : i32
    %dma_wait3A_105 = tpu.memref_slice %arg3[%add3A_50, %dma_wait3A_104] : memref<32768x1024xf32, #tpu.memory_space<hbm>> -> memref<56x1024xf32, #tpu.memory_space<hbm>>
    %dma_wait3A_106 = arith.constant 0 : i32
    %dma_wait3A_107 = arith.constant 0 : i32
    %dma_wait3A_108 = tpu.memref_slice %arg4[%dma_wait3A_106, %dma_wait3A_107] : memref<56x1024xf32, #tpu.memory_space<vmem>> -> memref<56x1024xf32, #tpu.memory_space<vmem>>
    tpu.wait_dma2 semaphore(%arg7 : memref<!tpu.dma_semaphore, #tpu.memory_space<semaphore_mem>>) src(%dma_wait3A_108 : memref<56x1024xf32, #tpu.memory_space<vmem>>) dst(%dma_wait3A_105 : memref<56x1024xf32, #tpu.memory_space<hbm>>)
    %dma_wait3A_109 = arith.constant 0 : i32
    %dma_wait3A_110 = arith.constant 0 : i32
    %dma_wait3A_111 = tpu.memref_slice %arg4[%dma_wait3A_109, %dma_wait3A_110] : memref<56x1024xf32, #tpu.memory_space<vmem>> -> memref<56x1024xf32, #tpu.memory_space<vmem>>
    %dma_wait3A_112 = arith.constant 0 : i32
    %dma_wait3A_113 = tpu.memref_slice %arg3[%add3A_64, %dma_wait3A_112] : memref<32768x1024xf32, #tpu.memory_space<hbm>> -> memref<56x1024xf32, #tpu.memory_space<hbm>>
    %dma_wait3A_114 = arith.constant 0 : i32
    %dma_wait3A_115 = tpu.memref_slice %arg3[%add3A_64, %dma_wait3A_114] : memref<32768x1024xf32, #tpu.memory_space<hbm>> -> memref<56x1024xf32, #tpu.memory_space<hbm>>
    %dma_wait3A_116 = arith.constant 0 : i32
    %dma_wait3A_117 = arith.constant 0 : i32
    %dma_wait3A_118 = tpu.memref_slice %arg4[%dma_wait3A_116, %dma_wait3A_117] : memref<56x1024xf32, #tpu.memory_space<vmem>> -> memref<56x1024xf32, #tpu.memory_space<vmem>>
    tpu.wait_dma2 semaphore(%arg7 : memref<!tpu.dma_semaphore, #tpu.memory_space<semaphore_mem>>) src(%dma_wait3A_118 : memref<56x1024xf32, #tpu.memory_space<vmem>>) dst(%dma_wait3A_115 : memref<56x1024xf32, #tpu.memory_space<hbm>>)
    %dma_wait3A_119 = arith.constant 0 : i32
    %dma_wait3A_120 = arith.constant 0 : i32
    %dma_wait3A_121 = tpu.memref_slice %arg4[%dma_wait3A_119, %dma_wait3A_120] : memref<56x1024xf32, #tpu.memory_space<vmem>> -> memref<56x1024xf32, #tpu.memory_space<vmem>>
    %dma_wait3A_122 = arith.constant 0 : i32
    %dma_wait3A_123 = tpu.memref_slice %arg3[%add3A_78, %dma_wait3A_122] : memref<32768x1024xf32, #tpu.memory_space<hbm>> -> memref<56x1024xf32, #tpu.memory_space<hbm>>
    %dma_wait3A_124 = arith.constant 0 : i32
    %dma_wait3A_125 = tpu.memref_slice %arg3[%add3A_78, %dma_wait3A_124] : memref<32768x1024xf32, #tpu.memory_space<hbm>> -> memref<56x1024xf32, #tpu.memory_space<hbm>>
    %dma_wait3A_126 = arith.constant 0 : i32
    %dma_wait3A_127 = arith.constant 0 : i32
    %dma_wait3A_128 = tpu.memref_slice %arg4[%dma_wait3A_126, %dma_wait3A_127] : memref<56x1024xf32, #tpu.memory_space<vmem>> -> memref<56x1024xf32, #tpu.memory_space<vmem>>
    tpu.wait_dma2 semaphore(%arg7 : memref<!tpu.dma_semaphore, #tpu.memory_space<semaphore_mem>>) src(%dma_wait3A_128 : memref<56x1024xf32, #tpu.memory_space<vmem>>) dst(%dma_wait3A_125 : memref<56x1024xf32, #tpu.memory_space<hbm>>)
    %add3A_129 = arith.constant 112 : i32
    %add3A_130 = arith.addi %mul3A_2, %add3A_129 : i32
    %dma_start3A_131 = arith.constant 0 : i32
    %dma_start3A_132 = arith.constant 0 : i32
    %dma_start3A_133 = tpu.memref_slice %arg4[%dma_start3A_131, %dma_start3A_132] : memref<56x1024xf32, #tpu.memory_space<vmem>> -> memref<56x1024xf32, #tpu.memory_space<vmem>>
    %dma_start3A_134 = arith.constant 0 : i32
    %dma_start3A_135 = tpu.memref_slice %arg2[%add3A_130, %dma_start3A_134] : memref<8192x1024xf32, #tpu.memory_space<hbm>> -> memref<56x1024xf32, #tpu.memory_space<hbm>>
    %dma_start3A_136 = arith.constant 0 : i32
    %dma_start3A_137 = arith.constant 0 : i32
    %dma_start3A_138 = tpu.memref_slice %arg4[%dma_start3A_136, %dma_start3A_137] : memref<56x1024xf32, #tpu.memory_space<vmem>> -> memref<56x1024xf32, #tpu.memory_space<vmem>>
    %dma_start3A_139 = arith.constant 0 : i32
    %dma_start3A_140 = tpu.memref_slice %arg2[%add3A_130, %dma_start3A_139] : memref<8192x1024xf32, #tpu.memory_space<hbm>> -> memref<56x1024xf32, #tpu.memory_space<hbm>>
    tpu.enqueue_dma source(%dma_start3A_140 : memref<56x1024xf32, #tpu.memory_space<hbm>>) target(%dma_start3A_138 : memref<56x1024xf32, #tpu.memory_space<vmem>>) target_semaphore(%arg6 : memref<!tpu.dma_semaphore, #tpu.memory_space<semaphore_mem>>)
    %dma_wait3A_141 = arith.constant 0 : i32
    %dma_wait3A_142 = arith.constant 0 : i32
    %dma_wait3A_143 = tpu.memref_slice %arg5[%dma_wait3A_141, %dma_wait3A_142] : memref<56x1024xf32, #tpu.memory_space<vmem>> -> memref<56x1024xf32, #tpu.memory_space<vmem>>
    %dma_wait3A_144 = arith.constant 0 : i32
    %dma_wait3A_145 = tpu.memref_slice %arg2[%add3A_13, %dma_wait3A_144] : memref<8192x1024xf32, #tpu.memory_space<hbm>> -> memref<56x1024xf32, #tpu.memory_space<hbm>>
    %dma_wait3A_146 = arith.constant 0 : i32
    %dma_wait3A_147 = arith.constant 0 : i32
    %dma_wait3A_148 = tpu.memref_slice %arg5[%dma_wait3A_146, %dma_wait3A_147] : memref<56x1024xf32, #tpu.memory_space<vmem>> -> memref<56x1024xf32, #tpu.memory_space<vmem>>
    %dma_wait3A_149 = arith.constant 0 : i32
    %dma_wait3A_150 = tpu.memref_slice %arg2[%add3A_13, %dma_wait3A_149] : memref<8192x1024xf32, #tpu.memory_space<hbm>> -> memref<56x1024xf32, #tpu.memory_space<hbm>>
    tpu.wait_dma2 semaphore(%arg6 : memref<!tpu.dma_semaphore, #tpu.memory_space<semaphore_mem>>) src(%dma_wait3A_150 : memref<56x1024xf32, #tpu.memory_space<hbm>>) dst(%dma_wait3A_148 : memref<56x1024xf32, #tpu.memory_space<vmem>>)
    %add3A_151 = arith.constant 0 : i32
    %add3A_152 = arith.addi %add3A_151, %mul3A_2 : i32
    %add3A_153 = arith.constant 56 : i32
    %add3A_154 = arith.addi %add3A_152, %add3A_153 : i32
    %dma_start3A_155 = arith.constant 0 : i32
    %dma_start3A_156 = arith.constant 0 : i32
    %dma_start3A_157 = tpu.memref_slice %arg5[%dma_start3A_155, %dma_start3A_156] : memref<56x1024xf32, #tpu.memory_space<vmem>> -> memref<56x1024xf32, #tpu.memory_space<vmem>>
    %dma_start3A_158 = arith.constant 0 : i32
    %dma_start3A_159 = tpu.memref_slice %arg3[%add3A_154, %dma_start3A_158] : memref<32768x1024xf32, #tpu.memory_space<hbm>> -> memref<56x1024xf32, #tpu.memory_space<hbm>>
    %dma_start3A_160 = arith.constant 0 : i32
    %dma_start3A_161 = tpu.memref_slice %arg3[%add3A_154, %dma_start3A_160] : memref<32768x1024xf32, #tpu.memory_space<hbm>> -> memref<56x1024xf32, #tpu.memory_space<hbm>>
    %dma_start3A_162 = arith.constant 0 : i32
    %dma_start3A_163 = arith.constant 0 : i32
    %dma_start3A_164 = tpu.memref_slice %arg5[%dma_start3A_162, %dma_start3A_163] : memref<56x1024xf32, #tpu.memory_space<vmem>> -> memref<56x1024xf32, #tpu.memory_space<vmem>>
    tpu.enqueue_dma source(%dma_start3A_164 : memref<56x1024xf32, #tpu.memory_space<vmem>>) target(%dma_start3A_161 : memref<56x1024xf32, #tpu.memory_space<hbm>>) target_semaphore(%arg7 : memref<!tpu.dma_semaphore, #tpu.memory_space<semaphore_mem>>)
    %add3A_165 = arith.constant 8192 : i32
    %add3A_166 = arith.addi %add3A_165, %mul3A_2 : i32
    %add3A_167 = arith.constant 56 : i32
    %add3A_168 = arith.addi %add3A_166, %add3A_167 : i32
    %dma_start3A_169 = arith.constant 0 : i32
    %dma_start3A_170 = arith.constant 0 : i32
    %dma_start3A_171 = tpu.memref_slice %arg5[%dma_start3A_169, %dma_start3A_170] : memref<56x1024xf32, #tpu.memory_space<vmem>> -> memref<56x1024xf32, #tpu.memory_space<vmem>>
    %dma_start3A_172 = arith.constant 0 : i32
    %dma_start3A_173 = tpu.memref_slice %arg3[%add3A_168, %dma_start3A_172] : memref<32768x1024xf32, #tpu.memory_space<hbm>> -> memref<56x1024xf32, #tpu.memory_space<hbm>>
    %dma_start3A_174 = arith.constant 0 : i32
    %dma_start3A_175 = tpu.memref_slice %arg3[%add3A_168, %dma_start3A_174] : memref<32768x1024xf32, #tpu.memory_space<hbm>> -> memref<56x1024xf32, #tpu.memory_space<hbm>>
    %dma_start3A_176 = arith.constant 0 : i32
    %dma_start3A_177 = arith.constant 0 : i32
    %dma_start3A_178 = tpu.memref_slice %arg5[%dma_start3A_176, %dma_start3A_177] : memref<56x1024xf32, #tpu.memory_space<vmem>> -> memref<56x1024xf32, #tpu.memory_space<vmem>>
    tpu.enqueue_dma source(%dma_start3A_178 : memref<56x1024xf32, #tpu.memory_space<vmem>>) target(%dma_start3A_175 : memref<56x1024xf32, #tpu.memory_space<hbm>>) target_semaphore(%arg7 : memref<!tpu.dma_semaphore, #tpu.memory_space<semaphore_mem>>)
    %add3A_179 = arith.constant 16384 : i32
    %add3A_180 = arith.addi %add3A_179, %mul3A_2 : i32
    %add3A_181 = arith.constant 56 : i32
    %add3A_182 = arith.addi %add3A_180, %add3A_181 : i32
    %dma_start3A_183 = arith.constant 0 : i32
    %dma_start3A_184 = arith.constant 0 : i32
    %dma_start3A_185 = tpu.memref_slice %arg5[%dma_start3A_183, %dma_start3A_184] : memref<56x1024xf32, #tpu.memory_space<vmem>> -> memref<56x1024xf32, #tpu.memory_space<vmem>>
    %dma_start3A_186 = arith.constant 0 : i32
    %dma_start3A_187 = tpu.memref_slice %arg3[%add3A_182, %dma_start3A_186] : memref<32768x1024xf32, #tpu.memory_space<hbm>> -> memref<56x1024xf32, #tpu.memory_space<hbm>>
    %dma_start3A_188 = arith.constant 0 : i32
    %dma_start3A_189 = tpu.memref_slice %arg3[%add3A_182, %dma_start3A_188] : memref<32768x1024xf32, #tpu.memory_space<hbm>> -> memref<56x1024xf32, #tpu.memory_space<hbm>>
    %dma_start3A_190 = arith.constant 0 : i32
    %dma_start3A_191 = arith.constant 0 : i32
    %dma_start3A_192 = tpu.memref_slice %arg5[%dma_start3A_190, %dma_start3A_191] : memref<56x1024xf32, #tpu.memory_space<vmem>> -> memref<56x1024xf32, #tpu.memory_space<vmem>>
    tpu.enqueue_dma source(%dma_start3A_192 : memref<56x1024xf32, #tpu.memory_space<vmem>>) target(%dma_start3A_189 : memref<56x1024xf32, #tpu.memory_space<hbm>>) target_semaphore(%arg7 : memref<!tpu.dma_semaphore, #tpu.memory_space<semaphore_mem>>)
    %add3A_193 = arith.constant 24576 : i32
    %add3A_194 = arith.addi %add3A_193, %mul3A_2 : i32
    %add3A_195 = arith.constant 56 : i32
    %add3A_196 = arith.addi %add3A_194, %add3A_195 : i32
    %dma_start3A_197 = arith.constant 0 : i32
    %dma_start3A_198 = arith.constant 0 : i32
    %dma_start3A_199 = tpu.memref_slice %arg5[%dma_start3A_197, %dma_start3A_198] : memref<56x1024xf32, #tpu.memory_space<vmem>> -> memref<56x1024xf32, #tpu.memory_space<vmem>>
    %dma_start3A_200 = arith.constant 0 : i32
    %dma_start3A_201 = tpu.memref_slice %arg3[%add3A_196, %dma_start3A_200] : memref<32768x1024xf32, #tpu.memory_space<hbm>> -> memref<56x1024xf32, #tpu.memory_space<hbm>>
    %dma_start3A_202 = arith.constant 0 : i32
    %dma_start3A_203 = tpu.memref_slice %arg3[%add3A_196, %dma_start3A_202] : memref<32768x1024xf32, #tpu.memory_space<hbm>> -> memref<56x1024xf32, #tpu.memory_space<hbm>>
    %dma_start3A_204 = arith.constant 0 : i32
    %dma_start3A_205 = arith.constant 0 : i32
    %dma_start3A_206 = tpu.memref_slice %arg5[%dma_start3A_204, %dma_start3A_205] : memref<56x1024xf32, #tpu.memory_space<vmem>> -> memref<56x1024xf32, #tpu.memory_space<vmem>>
    tpu.enqueue_dma source(%dma_start3A_206 : memref<56x1024xf32, #tpu.memory_space<vmem>>) target(%dma_start3A_203 : memref<56x1024xf32, #tpu.memory_space<hbm>>) target_semaphore(%arg7 : memref<!tpu.dma_semaphore, #tpu.memory_space<semaphore_mem>>)
    %dma_wait3A_207 = arith.constant 0 : i32
    %dma_wait3A_208 = arith.constant 0 : i32
    %dma_wait3A_209 = tpu.memref_slice %arg5[%dma_wait3A_207, %dma_wait3A_208] : memref<56x1024xf32, #tpu.memory_space<vmem>> -> memref<56x1024xf32, #tpu.memory_space<vmem>>
    %dma_wait3A_210 = arith.constant 0 : i32
    %dma_wait3A_211 = tpu.memref_slice %arg3[%add3A_154, %dma_wait3A_210] : memref<32768x1024xf32, #tpu.memory_space<hbm>> -> memref<56x1024xf32, #tpu.memory_space<hbm>>
    %dma_wait3A_212 = arith.constant 0 : i32
    %dma_wait3A_213 = tpu.memref_slice %arg3[%add3A_154, %dma_wait3A_212] : memref<32768x1024xf32, #tpu.memory_space<hbm>> -> memref<56x1024xf32, #tpu.memory_space<hbm>>
    %dma_wait3A_214 = arith.constant 0 : i32
    %dma_wait3A_215 = arith.constant 0 : i32
    %dma_wait3A_216 = tpu.memref_slice %arg5[%dma_wait3A_214, %dma_wait3A_215] : memref<56x1024xf32, #tpu.memory_space<vmem>> -> memref<56x1024xf32, #tpu.memory_space<vmem>>
    tpu.wait_dma2 semaphore(%arg7 : memref<!tpu.dma_semaphore, #tpu.memory_space<semaphore_mem>>) src(%dma_wait3A_216 : memref<56x1024xf32, #tpu.memory_space<vmem>>) dst(%dma_wait3A_213 : memref<56x1024xf32, #tpu.memory_space<hbm>>)
    %dma_wait3A_217 = arith.constant 0 : i32
    %dma_wait3A_218 = arith.constant 0 : i32
    %dma_wait3A_219 = tpu.memref_slice %arg5[%dma_wait3A_217, %dma_wait3A_218] : memref<56x1024xf32, #tpu.memory_space<vmem>> -> memref<56x1024xf32, #tpu.memory_space<vmem>>
    %dma_wait3A_220 = arith.constant 0 : i32
    %dma_wait3A_221 = tpu.memref_slice %arg3[%add3A_168, %dma_wait3A_220] : memref<32768x1024xf32, #tpu.memory_space<hbm>> -> memref<56x1024xf32, #tpu.memory_space<hbm>>
    %dma_wait3A_222 = arith.constant 0 : i32
    %dma_wait3A_223 = tpu.memref_slice %arg3[%add3A_168, %dma_wait3A_222] : memref<32768x1024xf32, #tpu.memory_space<hbm>> -> memref<56x1024xf32, #tpu.memory_space<hbm>>
    %dma_wait3A_224 = arith.constant 0 : i32
    %dma_wait3A_225 = arith.constant 0 : i32
    %dma_wait3A_226 = tpu.memref_slice %arg5[%dma_wait3A_224, %dma_wait3A_225] : memref<56x1024xf32, #tpu.memory_space<vmem>> -> memref<56x1024xf32, #tpu.memory_space<vmem>>
    tpu.wait_dma2 semaphore(%arg7 : memref<!tpu.dma_semaphore, #tpu.memory_space<semaphore_mem>>) src(%dma_wait3A_226 : memref<56x1024xf32, #tpu.memory_space<vmem>>) dst(%dma_wait3A_223 : memref<56x1024xf32, #tpu.memory_space<hbm>>)
    %dma_wait3A_227 = arith.constant 0 : i32
    %dma_wait3A_228 = arith.constant 0 : i32
    %dma_wait3A_229 = tpu.memref_slice %arg5[%dma_wait3A_227, %dma_wait3A_228] : memref<56x1024xf32, #tpu.memory_space<vmem>> -> memref<56x1024xf32, #tpu.memory_space<vmem>>
    %dma_wait3A_230 = arith.constant 0 : i32
    %dma_wait3A_231 = tpu.memref_slice %arg3[%add3A_182, %dma_wait3A_230] : memref<32768x1024xf32, #tpu.memory_space<hbm>> -> memref<56x1024xf32, #tpu.memory_space<hbm>>
    %dma_wait3A_232 = arith.constant 0 : i32
    %dma_wait3A_233 = tpu.memref_slice %arg3[%add3A_182, %dma_wait3A_232] : memref<32768x1024xf32, #tpu.memory_space<hbm>> -> memref<56x1024xf32, #tpu.memory_space<hbm>>
    %dma_wait3A_234 = arith.constant 0 : i32
    %dma_wait3A_235 = arith.constant 0 : i32
    %dma_wait3A_236 = tpu.memref_slice %arg5[%dma_wait3A_234, %dma_wait3A_235] : memref<56x1024xf32, #tpu.memory_space<vmem>> -> memref<56x1024xf32, #tpu.memory_space<vmem>>
    tpu.wait_dma2 semaphore(%arg7 : memref<!tpu.dma_semaphore, #tpu.memory_space<semaphore_mem>>) src(%dma_wait3A_236 : memref<56x1024xf32, #tpu.memory_space<vmem>>) dst(%dma_wait3A_233 : memref<56x1024xf32, #tpu.memory_space<hbm>>)
    %dma_wait3A_237 = arith.constant 0 : i32
    %dma_wait3A_238 = arith.constant 0 : i32
    %dma_wait3A_239 = tpu.memref_slice %arg5[%dma_wait3A_237, %dma_wait3A_238] : memref<56x1024xf32, #tpu.memory_space<vmem>> -> memref<56x1024xf32, #tpu.memory_space<vmem>>
    %dma_wait3A_240 = arith.constant 0 : i32
    %dma_wait3A_241 = tpu.memref_slice %arg3[%add3A_196, %dma_wait3A_240] : memref<32768x1024xf32, #tpu.memory_space<hbm>> -> memref<56x1024xf32, #tpu.memory_space<hbm>>
    %dma_wait3A_242 = arith.constant 0 : i32
    %dma_wait3A_243 = tpu.memref_slice %arg3[%add3A_196, %dma_wait3A_242] : memref<32768x1024xf32, #tpu.memory_space<hbm>> -> memref<56x1024xf32, #tpu.memory_space<hbm>>
    %dma_wait3A_244 = arith.constant 0 : i32
    %dma_wait3A_245 = arith.constant 0 : i32
    %dma_wait3A_246 = tpu.memref_slice %arg5[%dma_wait3A_244, %dma_wait3A_245] : memref<56x1024xf32, #tpu.memory_space<vmem>> -> memref<56x1024xf32, #tpu.memory_space<vmem>>
    tpu.wait_dma2 semaphore(%arg7 : memref<!tpu.dma_semaphore, #tpu.memory_space<semaphore_mem>>) src(%dma_wait3A_246 : memref<56x1024xf32, #tpu.memory_space<vmem>>) dst(%dma_wait3A_243 : memref<56x1024xf32, #tpu.memory_space<hbm>>)
    %add3A_247 = arith.constant 168 : i32
    %add3A_248 = arith.addi %mul3A_2, %add3A_247 : i32
    %dma_start3A_249 = arith.constant 0 : i32
    %dma_start3A_250 = arith.constant 0 : i32
    %dma_start3A_251 = tpu.memref_slice %arg5[%dma_start3A_249, %dma_start3A_250] : memref<56x1024xf32, #tpu.memory_space<vmem>> -> memref<56x1024xf32, #tpu.memory_space<vmem>>
    %dma_start3A_252 = arith.constant 0 : i32
    %dma_start3A_253 = tpu.memref_slice %arg2[%add3A_248, %dma_start3A_252] : memref<8192x1024xf32, #tpu.memory_space<hbm>> -> memref<56x1024xf32, #tpu.memory_space<hbm>>
    %dma_start3A_254 = arith.constant 0 : i32
    %dma_start3A_255 = arith.constant 0 : i32
    %dma_start3A_256 = tpu.memref_slice %arg5[%dma_start3A_254, %dma_start3A_255] : memref<56x1024xf32, #tpu.memory_space<vmem>> -> memref<56x1024xf32, #tpu.memory_space<vmem>>
    %dma_start3A_257 = arith.constant 0 : i32
    %dma_start3A_258 = tpu.memref_slice %arg2[%add3A_248, %dma_start3A_257] : memref<8192x1024xf32, #tpu.memory_space<hbm>> -> memref<56x1024xf32, #tpu.memory_space<hbm>>
    tpu.enqueue_dma source(%dma_start3A_258 : memref<56x1024xf32, #tpu.memory_space<hbm>>) target(%dma_start3A_256 : memref<56x1024xf32, #tpu.memory_space<vmem>>) target_semaphore(%arg6 : memref<!tpu.dma_semaphore, #tpu.memory_space<semaphore_mem>>)
    %dma_wait3A_259 = arith.constant 0 : i32
    %dma_wait3A_260 = arith.constant 0 : i32
    %dma_wait3A_261 = tpu.memref_slice %arg4[%dma_wait3A_259, %dma_wait3A_260] : memref<56x1024xf32, #tpu.memory_space<vmem>> -> memref<56x1024xf32, #tpu.memory_space<vmem>>
    %dma_wait3A_262 = arith.constant 0 : i32
    %dma_wait3A_263 = tpu.memref_slice %arg2[%add3A_130, %dma_wait3A_262] : memref<8192x1024xf32, #tpu.memory_space<hbm>> -> memref<56x1024xf32, #tpu.memory_space<hbm>>
    %dma_wait3A_264 = arith.constant 0 : i32
    %dma_wait3A_265 = arith.constant 0 : i32
    %dma_wait3A_266 = tpu.memref_slice %arg4[%dma_wait3A_264, %dma_wait3A_265] : memref<56x1024xf32, #tpu.memory_space<vmem>> -> memref<56x1024xf32, #tpu.memory_space<vmem>>
    %dma_wait3A_267 = arith.constant 0 : i32
    %dma_wait3A_268 = tpu.memref_slice %arg2[%add3A_130, %dma_wait3A_267] : memref<8192x1024xf32, #tpu.memory_space<hbm>> -> memref<56x1024xf32, #tpu.memory_space<hbm>>
    tpu.wait_dma2 semaphore(%arg6 : memref<!tpu.dma_semaphore, #tpu.memory_space<semaphore_mem>>) src(%dma_wait3A_268 : memref<56x1024xf32, #tpu.memory_space<hbm>>) dst(%dma_wait3A_266 : memref<56x1024xf32, #tpu.memory_space<vmem>>)
    %add3A_269 = arith.constant 0 : i32
    %add3A_270 = arith.addi %add3A_269, %mul3A_2 : i32
    %add3A_271 = arith.constant 112 : i32
    %add3A_272 = arith.addi %add3A_270, %add3A_271 : i32
    %dma_start3A_273 = arith.constant 0 : i32
    %dma_start3A_274 = arith.constant 0 : i32
    %dma_start3A_275 = tpu.memref_slice %arg4[%dma_start3A_273, %dma_start3A_274] : memref<56x1024xf32, #tpu.memory_space<vmem>> -> memref<56x1024xf32, #tpu.memory_space<vmem>>
    %dma_start3A_276 = arith.constant 0 : i32
    %dma_start3A_277 = tpu.memref_slice %arg3[%add3A_272, %dma_start3A_276] : memref<32768x1024xf32, #tpu.memory_space<hbm>> -> memref<56x1024xf32, #tpu.memory_space<hbm>>
    %dma_start3A_278 = arith.constant 0 : i32
    %dma_start3A_279 = tpu.memref_slice %arg3[%add3A_272, %dma_start3A_278] : memref<32768x1024xf32, #tpu.memory_space<hbm>> -> memref<56x1024xf32, #tpu.memory_space<hbm>>
    %dma_start3A_280 = arith.constant 0 : i32
    %dma_start3A_281 = arith.constant 0 : i32
    %dma_start3A_282 = tpu.memref_slice %arg4[%dma_start3A_280, %dma_start3A_281] : memref<56x1024xf32, #tpu.memory_space<vmem>> -> memref<56x1024xf32, #tpu.memory_space<vmem>>
    tpu.enqueue_dma source(%dma_start3A_282 : memref<56x1024xf32, #tpu.memory_space<vmem>>) target(%dma_start3A_279 : memref<56x1024xf32, #tpu.memory_space<hbm>>) target_semaphore(%arg7 : memref<!tpu.dma_semaphore, #tpu.memory_space<semaphore_mem>>)
    %add3A_283 = arith.constant 8192 : i32
    %add3A_284 = arith.addi %add3A_283, %mul3A_2 : i32
    %add3A_285 = arith.constant 112 : i32
    %add3A_286 = arith.addi %add3A_284, %add3A_285 : i32
    %dma_start3A_287 = arith.constant 0 : i32
    %dma_start3A_288 = arith.constant 0 : i32
    %dma_start3A_289 = tpu.memref_slice %arg4[%dma_start3A_287, %dma_start3A_288] : memref<56x1024xf32, #tpu.memory_space<vmem>> -> memref<56x1024xf32, #tpu.memory_space<vmem>>
    %dma_start3A_290 = arith.constant 0 : i32
    %dma_start3A_291 = tpu.memref_slice %arg3[%add3A_286, %dma_start3A_290] : memref<32768x1024xf32, #tpu.memory_space<hbm>> -> memref<56x1024xf32, #tpu.memory_space<hbm>>
    %dma_start3A_292 = arith.constant 0 : i32
    %dma_start3A_293 = tpu.memref_slice %arg3[%add3A_286, %dma_start3A_292] : memref<32768x1024xf32, #tpu.memory_space<hbm>> -> memref<56x1024xf32, #tpu.memory_space<hbm>>
    %dma_start3A_294 = arith.constant 0 : i32
    %dma_start3A_295 = arith.constant 0 : i32
    %dma_start3A_296 = tpu.memref_slice %arg4[%dma_start3A_294, %dma_start3A_295] : memref<56x1024xf32, #tpu.memory_space<vmem>> -> memref<56x1024xf32, #tpu.memory_space<vmem>>
    tpu.enqueue_dma source(%dma_start3A_296 : memref<56x1024xf32, #tpu.memory_space<vmem>>) target(%dma_start3A_293 : memref<56x1024xf32, #tpu.memory_space<hbm>>) target_semaphore(%arg7 : memref<!tpu.dma_semaphore, #tpu.memory_space<semaphore_mem>>)
    %add3A_297 = arith.constant 16384 : i32
    %add3A_298 = arith.addi %add3A_297, %mul3A_2 : i32
    %add3A_299 = arith.constant 112 : i32
    %add3A_300 = arith.addi %add3A_298, %add3A_299 : i32
    %dma_start3A_301 = arith.constant 0 : i32
    %dma_start3A_302 = arith.constant 0 : i32
    %dma_start3A_303 = tpu.memref_slice %arg4[%dma_start3A_301, %dma_start3A_302] : memref<56x1024xf32, #tpu.memory_space<vmem>> -> memref<56x1024xf32, #tpu.memory_space<vmem>>
    %dma_start3A_304 = arith.constant 0 : i32
    %dma_start3A_305 = tpu.memref_slice %arg3[%add3A_300, %dma_start3A_304] : memref<32768x1024xf32, #tpu.memory_space<hbm>> -> memref<56x1024xf32, #tpu.memory_space<hbm>>
    %dma_start3A_306 = arith.constant 0 : i32
    %dma_start3A_307 = tpu.memref_slice %arg3[%add3A_300, %dma_start3A_306] : memref<32768x1024xf32, #tpu.memory_space<hbm>> -> memref<56x1024xf32, #tpu.memory_space<hbm>>
    %dma_start3A_308 = arith.constant 0 : i32
    %dma_start3A_309 = arith.constant 0 : i32
    %dma_start3A_310 = tpu.memref_slice %arg4[%dma_start3A_308, %dma_start3A_309] : memref<56x1024xf32, #tpu.memory_space<vmem>> -> memref<56x1024xf32, #tpu.memory_space<vmem>>
    tpu.enqueue_dma source(%dma_start3A_310 : memref<56x1024xf32, #tpu.memory_space<vmem>>) target(%dma_start3A_307 : memref<56x1024xf32, #tpu.memory_space<hbm>>) target_semaphore(%arg7 : memref<!tpu.dma_semaphore, #tpu.memory_space<semaphore_mem>>)
    %add3A_311 = arith.constant 24576 : i32
    %add3A_312 = arith.addi %add3A_311, %mul3A_2 : i32
    %add3A_313 = arith.constant 112 : i32
    %add3A_314 = arith.addi %add3A_312, %add3A_313 : i32
    %dma_start3A_315 = arith.constant 0 : i32
    %dma_start3A_316 = arith.constant 0 : i32
    %dma_start3A_317 = tpu.memref_slice %arg4[%dma_start3A_315, %dma_start3A_316] : memref<56x1024xf32, #tpu.memory_space<vmem>> -> memref<56x1024xf32, #tpu.memory_space<vmem>>
    %dma_start3A_318 = arith.constant 0 : i32
    %dma_start3A_319 = tpu.memref_slice %arg3[%add3A_314, %dma_start3A_318] : memref<32768x1024xf32, #tpu.memory_space<hbm>> -> memref<56x1024xf32, #tpu.memory_space<hbm>>
    %dma_start3A_320 = arith.constant 0 : i32
    %dma_start3A_321 = tpu.memref_slice %arg3[%add3A_314, %dma_start3A_320] : memref<32768x1024xf32, #tpu.memory_space<hbm>> -> memref<56x1024xf32, #tpu.memory_space<hbm>>
    %dma_start3A_322 = arith.constant 0 : i32
    %dma_start3A_323 = arith.constant 0 : i32
    %dma_start3A_324 = tpu.memref_slice %arg4[%dma_start3A_322, %dma_start3A_323] : memref<56x1024xf32, #tpu.memory_space<vmem>> -> memref<56x1024xf32, #tpu.memory_space<vmem>>
    tpu.enqueue_dma source(%dma_start3A_324 : memref<56x1024xf32, #tpu.memory_space<vmem>>) target(%dma_start3A_321 : memref<56x1024xf32, #tpu.memory_space<hbm>>) target_semaphore(%arg7 : memref<!tpu.dma_semaphore, #tpu.memory_space<semaphore_mem>>)
    %dma_wait3A_325 = arith.constant 0 : i32
    %dma_wait3A_326 = arith.constant 0 : i32
    %dma_wait3A_327 = tpu.memref_slice %arg4[%dma_wait3A_325, %dma_wait3A_326] : memref<56x1024xf32, #tpu.memory_space<vmem>> -> memref<56x1024xf32, #tpu.memory_space<vmem>>
    %dma_wait3A_328 = arith.constant 0 : i32
    %dma_wait3A_329 = tpu.memref_slice %arg3[%add3A_272, %dma_wait3A_328] : memref<32768x1024xf32, #tpu.memory_space<hbm>> -> memref<56x1024xf32, #tpu.memory_space<hbm>>
    %dma_wait3A_330 = arith.constant 0 : i32
    %dma_wait3A_331 = tpu.memref_slice %arg3[%add3A_272, %dma_wait3A_330] : memref<32768x1024xf32, #tpu.memory_space<hbm>> -> memref<56x1024xf32, #tpu.memory_space<hbm>>
    %dma_wait3A_332 = arith.constant 0 : i32
    %dma_wait3A_333 = arith.constant 0 : i32
    %dma_wait3A_334 = tpu.memref_slice %arg4[%dma_wait3A_332, %dma_wait3A_333] : memref<56x1024xf32, #tpu.memory_space<vmem>> -> memref<56x1024xf32, #tpu.memory_space<vmem>>
    tpu.wait_dma2 semaphore(%arg7 : memref<!tpu.dma_semaphore, #tpu.memory_space<semaphore_mem>>) src(%dma_wait3A_334 : memref<56x1024xf32, #tpu.memory_space<vmem>>) dst(%dma_wait3A_331 : memref<56x1024xf32, #tpu.memory_space<hbm>>)
    %dma_wait3A_335 = arith.constant 0 : i32
    %dma_wait3A_336 = arith.constant 0 : i32
    %dma_wait3A_337 = tpu.memref_slice %arg4[%dma_wait3A_335, %dma_wait3A_336] : memref<56x1024xf32, #tpu.memory_space<vmem>> -> memref<56x1024xf32, #tpu.memory_space<vmem>>
    %dma_wait3A_338 = arith.constant 0 : i32
    %dma_wait3A_339 = tpu.memref_slice %arg3[%add3A_286, %dma_wait3A_338] : memref<32768x1024xf32, #tpu.memory_space<hbm>> -> memref<56x1024xf32, #tpu.memory_space<hbm>>
    %dma_wait3A_340 = arith.constant 0 : i32
    %dma_wait3A_341 = tpu.memref_slice %arg3[%add3A_286, %dma_wait3A_340] : memref<32768x1024xf32, #tpu.memory_space<hbm>> -> memref<56x1024xf32, #tpu.memory_space<hbm>>
    %dma_wait3A_342 = arith.constant 0 : i32
    %dma_wait3A_343 = arith.constant 0 : i32
    %dma_wait3A_344 = tpu.memref_slice %arg4[%dma_wait3A_342, %dma_wait3A_343] : memref<56x1024xf32, #tpu.memory_space<vmem>> -> memref<56x1024xf32, #tpu.memory_space<vmem>>
    tpu.wait_dma2 semaphore(%arg7 : memref<!tpu.dma_semaphore, #tpu.memory_space<semaphore_mem>>) src(%dma_wait3A_344 : memref<56x1024xf32, #tpu.memory_space<vmem>>) dst(%dma_wait3A_341 : memref<56x1024xf32, #tpu.memory_space<hbm>>)
    %dma_wait3A_345 = arith.constant 0 : i32
    %dma_wait3A_346 = arith.constant 0 : i32
    %dma_wait3A_347 = tpu.memref_slice %arg4[%dma_wait3A_345, %dma_wait3A_346] : memref<56x1024xf32, #tpu.memory_space<vmem>> -> memref<56x1024xf32, #tpu.memory_space<vmem>>
    %dma_wait3A_348 = arith.constant 0 : i32
    %dma_wait3A_349 = tpu.memref_slice %arg3[%add3A_300, %dma_wait3A_348] : memref<32768x1024xf32, #tpu.memory_space<hbm>> -> memref<56x1024xf32, #tpu.memory_space<hbm>>
    %dma_wait3A_350 = arith.constant 0 : i32
    %dma_wait3A_351 = tpu.memref_slice %arg3[%add3A_300, %dma_wait3A_350] : memref<32768x1024xf32, #tpu.memory_space<hbm>> -> memref<56x1024xf32, #tpu.memory_space<hbm>>
    %dma_wait3A_352 = arith.constant 0 : i32
    %dma_wait3A_353 = arith.constant 0 : i32
    %dma_wait3A_354 = tpu.memref_slice %arg4[%dma_wait3A_352, %dma_wait3A_353] : memref<56x1024xf32, #tpu.memory_space<vmem>> -> memref<56x1024xf32, #tpu.memory_space<vmem>>
    tpu.wait_dma2 semaphore(%arg7 : memref<!tpu.dma_semaphore, #tpu.memory_space<semaphore_mem>>) src(%dma_wait3A_354 : memref<56x1024xf32, #tpu.memory_space<vmem>>) dst(%dma_wait3A_351 : memref<56x1024xf32, #tpu.memory_space<hbm>>)
    %dma_wait3A_355 = arith.constant 0 : i32
    %dma_wait3A_356 = arith.constant 0 : i32
    %dma_wait3A_357 = tpu.memref_slice %arg4[%dma_wait3A_355, %dma_wait3A_356] : memref<56x1024xf32, #tpu.memory_space<vmem>> -> memref<56x1024xf32, #tpu.memory_space<vmem>>
    %dma_wait3A_358 = arith.constant 0 : i32
    %dma_wait3A_359 = tpu.memref_slice %arg3[%add3A_314, %dma_wait3A_358] : memref<32768x1024xf32, #tpu.memory_space<hbm>> -> memref<56x1024xf32, #tpu.memory_space<hbm>>
    %dma_wait3A_360 = arith.constant 0 : i32
    %dma_wait3A_361 = tpu.memref_slice %arg3[%add3A_314, %dma_wait3A_360] : memref<32768x1024xf32, #tpu.memory_space<hbm>> -> memref<56x1024xf32, #tpu.memory_space<hbm>>
    %dma_wait3A_362 = arith.constant 0 : i32
    %dma_wait3A_363 = arith.constant 0 : i32
    %dma_wait3A_364 = tpu.memref_slice %arg4[%dma_wait3A_362, %dma_wait3A_363] : memref<56x1024xf32, #tpu.memory_space<vmem>> -> memref<56x1024xf32, #tpu.memory_space<vmem>>
    tpu.wait_dma2 semaphore(%arg7 : memref<!tpu.dma_semaphore, #tpu.memory_space<semaphore_mem>>) src(%dma_wait3A_364 : memref<56x1024xf32, #tpu.memory_space<vmem>>) dst(%dma_wait3A_361 : memref<56x1024xf32, #tpu.memory_space<hbm>>)
    %add3A_365 = arith.constant 224 : i32
    %add3A_366 = arith.addi %mul3A_2, %add3A_365 : i32
    %dma_start3A_367 = arith.constant 0 : i32
    %dma_start3A_368 = arith.constant 0 : i32
    %dma_start3A_369 = tpu.memref_slice %arg4[%dma_start3A_367, %dma_start3A_368] : memref<56x1024xf32, #tpu.memory_space<vmem>> -> memref<32x1024xf32, #tpu.memory_space<vmem>>
    %dma_start3A_370 = arith.constant 0 : i32
    %dma_start3A_371 = tpu.memref_slice %arg2[%add3A_366, %dma_start3A_370] : memref<8192x1024xf32, #tpu.memory_space<hbm>> -> memref<32x1024xf32, #tpu.memory_space<hbm>>
    %dma_start3A_372 = arith.constant 0 : i32
    %dma_start3A_373 = arith.constant 0 : i32
    %dma_start3A_374 = tpu.memref_slice %arg4[%dma_start3A_372, %dma_start3A_373] : memref<56x1024xf32, #tpu.memory_space<vmem>> -> memref<32x1024xf32, #tpu.memory_space<vmem>>
    %dma_start3A_375 = arith.constant 0 : i32
    %dma_start3A_376 = tpu.memref_slice %arg2[%add3A_366, %dma_start3A_375] : memref<8192x1024xf32, #tpu.memory_space<hbm>> -> memref<32x1024xf32, #tpu.memory_space<hbm>>
    tpu.enqueue_dma source(%dma_start3A_376 : memref<32x1024xf32, #tpu.memory_space<hbm>>) target(%dma_start3A_374 : memref<32x1024xf32, #tpu.memory_space<vmem>>) target_semaphore(%arg6 : memref<!tpu.dma_semaphore, #tpu.memory_space<semaphore_mem>>)
    %dma_wait3A_377 = arith.constant 0 : i32
    %dma_wait3A_378 = arith.constant 0 : i32
    %dma_wait3A_379 = tpu.memref_slice %arg5[%dma_wait3A_377, %dma_wait3A_378] : memref<56x1024xf32, #tpu.memory_space<vmem>> -> memref<56x1024xf32, #tpu.memory_space<vmem>>
    %dma_wait3A_380 = arith.constant 0 : i32
    %dma_wait3A_381 = tpu.memref_slice %arg2[%add3A_248, %dma_wait3A_380] : memref<8192x1024xf32, #tpu.memory_space<hbm>> -> memref<56x1024xf32, #tpu.memory_space<hbm>>
    %dma_wait3A_382 = arith.constant 0 : i32
    %dma_wait3A_383 = arith.constant 0 : i32
    %dma_wait3A_384 = tpu.memref_slice %arg5[%dma_wait3A_382, %dma_wait3A_383] : memref<56x1024xf32, #tpu.memory_space<vmem>> -> memref<56x1024xf32, #tpu.memory_space<vmem>>
    %dma_wait3A_385 = arith.constant 0 : i32
    %dma_wait3A_386 = tpu.memref_slice %arg2[%add3A_248, %dma_wait3A_385] : memref<8192x1024xf32, #tpu.memory_space<hbm>> -> memref<56x1024xf32, #tpu.memory_space<hbm>>
    tpu.wait_dma2 semaphore(%arg6 : memref<!tpu.dma_semaphore, #tpu.memory_space<semaphore_mem>>) src(%dma_wait3A_386 : memref<56x1024xf32, #tpu.memory_space<hbm>>) dst(%dma_wait3A_384 : memref<56x1024xf32, #tpu.memory_space<vmem>>)
    %add3A_387 = arith.constant 0 : i32
    %add3A_388 = arith.addi %add3A_387, %mul3A_2 : i32
    %add3A_389 = arith.constant 168 : i32
    %add3A_390 = arith.addi %add3A_388, %add3A_389 : i32
    %dma_start3A_391 = arith.constant 0 : i32
    %dma_start3A_392 = arith.constant 0 : i32
    %dma_start3A_393 = tpu.memref_slice %arg5[%dma_start3A_391, %dma_start3A_392] : memref<56x1024xf32, #tpu.memory_space<vmem>> -> memref<56x1024xf32, #tpu.memory_space<vmem>>
    %dma_start3A_394 = arith.constant 0 : i32
    %dma_start3A_395 = tpu.memref_slice %arg3[%add3A_390, %dma_start3A_394] : memref<32768x1024xf32, #tpu.memory_space<hbm>> -> memref<56x1024xf32, #tpu.memory_space<hbm>>
    %dma_start3A_396 = arith.constant 0 : i32
    %dma_start3A_397 = tpu.memref_slice %arg3[%add3A_390, %dma_start3A_396] : memref<32768x1024xf32, #tpu.memory_space<hbm>> -> memref<56x1024xf32, #tpu.memory_space<hbm>>
    %dma_start3A_398 = arith.constant 0 : i32
    %dma_start3A_399 = arith.constant 0 : i32
    %dma_start3A_400 = tpu.memref_slice %arg5[%dma_start3A_398, %dma_start3A_399] : memref<56x1024xf32, #tpu.memory_space<vmem>> -> memref<56x1024xf32, #tpu.memory_space<vmem>>
    tpu.enqueue_dma source(%dma_start3A_400 : memref<56x1024xf32, #tpu.memory_space<vmem>>) target(%dma_start3A_397 : memref<56x1024xf32, #tpu.memory_space<hbm>>) target_semaphore(%arg7 : memref<!tpu.dma_semaphore, #tpu.memory_space<semaphore_mem>>)
    %add3A_401 = arith.constant 8192 : i32
    %add3A_402 = arith.addi %add3A_401, %mul3A_2 : i32
    %add3A_403 = arith.constant 168 : i32
    %add3A_404 = arith.addi %add3A_402, %add3A_403 : i32
    %dma_start3A_405 = arith.constant 0 : i32
    %dma_start3A_406 = arith.constant 0 : i32
    %dma_start3A_407 = tpu.memref_slice %arg5[%dma_start3A_405, %dma_start3A_406] : memref<56x1024xf32, #tpu.memory_space<vmem>> -> memref<56x1024xf32, #tpu.memory_space<vmem>>
    %dma_start3A_408 = arith.constant 0 : i32
    %dma_start3A_409 = tpu.memref_slice %arg3[%add3A_404, %dma_start3A_408] : memref<32768x1024xf32, #tpu.memory_space<hbm>> -> memref<56x1024xf32, #tpu.memory_space<hbm>>
    %dma_start3A_410 = arith.constant 0 : i32
    %dma_start3A_411 = tpu.memref_slice %arg3[%add3A_404, %dma_start3A_410] : memref<32768x1024xf32, #tpu.memory_space<hbm>> -> memref<56x1024xf32, #tpu.memory_space<hbm>>
    %dma_start3A_412 = arith.constant 0 : i32
    %dma_start3A_413 = arith.constant 0 : i32
    %dma_start3A_414 = tpu.memref_slice %arg5[%dma_start3A_412, %dma_start3A_413] : memref<56x1024xf32, #tpu.memory_space<vmem>> -> memref<56x1024xf32, #tpu.memory_space<vmem>>
    tpu.enqueue_dma source(%dma_start3A_414 : memref<56x1024xf32, #tpu.memory_space<vmem>>) target(%dma_start3A_411 : memref<56x1024xf32, #tpu.memory_space<hbm>>) target_semaphore(%arg7 : memref<!tpu.dma_semaphore, #tpu.memory_space<semaphore_mem>>)
    %add3A_415 = arith.constant 16384 : i32
    %add3A_416 = arith.addi %add3A_415, %mul3A_2 : i32
    %add3A_417 = arith.constant 168 : i32
    %add3A_418 = arith.addi %add3A_416, %add3A_417 : i32
    %dma_start3A_419 = arith.constant 0 : i32
    %dma_start3A_420 = arith.constant 0 : i32
    %dma_start3A_421 = tpu.memref_slice %arg5[%dma_start3A_419, %dma_start3A_420] : memref<56x1024xf32, #tpu.memory_space<vmem>> -> memref<56x1024xf32, #tpu.memory_space<vmem>>
    %dma_start3A_422 = arith.constant 0 : i32
    %dma_start3A_423 = tpu.memref_slice %arg3[%add3A_418, %dma_start3A_422] : memref<32768x1024xf32, #tpu.memory_space<hbm>> -> memref<56x1024xf32, #tpu.memory_space<hbm>>
    %dma_start3A_424 = arith.constant 0 : i32
    %dma_start3A_425 = tpu.memref_slice %arg3[%add3A_418, %dma_start3A_424] : memref<32768x1024xf32, #tpu.memory_space<hbm>> -> memref<56x1024xf32, #tpu.memory_space<hbm>>
    %dma_start3A_426 = arith.constant 0 : i32
    %dma_start3A_427 = arith.constant 0 : i32
    %dma_start3A_428 = tpu.memref_slice %arg5[%dma_start3A_426, %dma_start3A_427] : memref<56x1024xf32, #tpu.memory_space<vmem>> -> memref<56x1024xf32, #tpu.memory_space<vmem>>
    tpu.enqueue_dma source(%dma_start3A_428 : memref<56x1024xf32, #tpu.memory_space<vmem>>) target(%dma_start3A_425 : memref<56x1024xf32, #tpu.memory_space<hbm>>) target_semaphore(%arg7 : memref<!tpu.dma_semaphore, #tpu.memory_space<semaphore_mem>>)
    %add3A_429 = arith.constant 24576 : i32
    %add3A_430 = arith.addi %add3A_429, %mul3A_2 : i32
    %add3A_431 = arith.constant 168 : i32
    %add3A_432 = arith.addi %add3A_430, %add3A_431 : i32
    %dma_start3A_433 = arith.constant 0 : i32
    %dma_start3A_434 = arith.constant 0 : i32
    %dma_start3A_435 = tpu.memref_slice %arg5[%dma_start3A_433, %dma_start3A_434] : memref<56x1024xf32, #tpu.memory_space<vmem>> -> memref<56x1024xf32, #tpu.memory_space<vmem>>
    %dma_start3A_436 = arith.constant 0 : i32
    %dma_start3A_437 = tpu.memref_slice %arg3[%add3A_432, %dma_start3A_436] : memref<32768x1024xf32, #tpu.memory_space<hbm>> -> memref<56x1024xf32, #tpu.memory_space<hbm>>
    %dma_start3A_438 = arith.constant 0 : i32
    %dma_start3A_439 = tpu.memref_slice %arg3[%add3A_432, %dma_start3A_438] : memref<32768x1024xf32, #tpu.memory_space<hbm>> -> memref<56x1024xf32, #tpu.memory_space<hbm>>
    %dma_start3A_440 = arith.constant 0 : i32
    %dma_start3A_441 = arith.constant 0 : i32
    %dma_start3A_442 = tpu.memref_slice %arg5[%dma_start3A_440, %dma_start3A_441] : memref<56x1024xf32, #tpu.memory_space<vmem>> -> memref<56x1024xf32, #tpu.memory_space<vmem>>
    tpu.enqueue_dma source(%dma_start3A_442 : memref<56x1024xf32, #tpu.memory_space<vmem>>) target(%dma_start3A_439 : memref<56x1024xf32, #tpu.memory_space<hbm>>) target_semaphore(%arg7 : memref<!tpu.dma_semaphore, #tpu.memory_space<semaphore_mem>>)
    %dma_wait3A_443 = arith.constant 0 : i32
    %dma_wait3A_444 = arith.constant 0 : i32
    %dma_wait3A_445 = tpu.memref_slice %arg5[%dma_wait3A_443, %dma_wait3A_444] : memref<56x1024xf32, #tpu.memory_space<vmem>> -> memref<56x1024xf32, #tpu.memory_space<vmem>>
    %dma_wait3A_446 = arith.constant 0 : i32
    %dma_wait3A_447 = tpu.memref_slice %arg3[%add3A_390, %dma_wait3A_446] : memref<32768x1024xf32, #tpu.memory_space<hbm>> -> memref<56x1024xf32, #tpu.memory_space<hbm>>
    %dma_wait3A_448 = arith.constant 0 : i32
    %dma_wait3A_449 = tpu.memref_slice %arg3[%add3A_390, %dma_wait3A_448] : memref<32768x1024xf32, #tpu.memory_space<hbm>> -> memref<56x1024xf32, #tpu.memory_space<hbm>>
    %dma_wait3A_450 = arith.constant 0 : i32
    %dma_wait3A_451 = arith.constant 0 : i32
    %dma_wait3A_452 = tpu.memref_slice %arg5[%dma_wait3A_450, %dma_wait3A_451] : memref<56x1024xf32, #tpu.memory_space<vmem>> -> memref<56x1024xf32, #tpu.memory_space<vmem>>
    tpu.wait_dma2 semaphore(%arg7 : memref<!tpu.dma_semaphore, #tpu.memory_space<semaphore_mem>>) src(%dma_wait3A_452 : memref<56x1024xf32, #tpu.memory_space<vmem>>) dst(%dma_wait3A_449 : memref<56x1024xf32, #tpu.memory_space<hbm>>)
    %dma_wait3A_453 = arith.constant 0 : i32
    %dma_wait3A_454 = arith.constant 0 : i32
    %dma_wait3A_455 = tpu.memref_slice %arg5[%dma_wait3A_453, %dma_wait3A_454] : memref<56x1024xf32, #tpu.memory_space<vmem>> -> memref<56x1024xf32, #tpu.memory_space<vmem>>
    %dma_wait3A_456 = arith.constant 0 : i32
    %dma_wait3A_457 = tpu.memref_slice %arg3[%add3A_404, %dma_wait3A_456] : memref<32768x1024xf32, #tpu.memory_space<hbm>> -> memref<56x1024xf32, #tpu.memory_space<hbm>>
    %dma_wait3A_458 = arith.constant 0 : i32
    %dma_wait3A_459 = tpu.memref_slice %arg3[%add3A_404, %dma_wait3A_458] : memref<32768x1024xf32, #tpu.memory_space<hbm>> -> memref<56x1024xf32, #tpu.memory_space<hbm>>
    %dma_wait3A_460 = arith.constant 0 : i32
    %dma_wait3A_461 = arith.constant 0 : i32
    %dma_wait3A_462 = tpu.memref_slice %arg5[%dma_wait3A_460, %dma_wait3A_461] : memref<56x1024xf32, #tpu.memory_space<vmem>> -> memref<56x1024xf32, #tpu.memory_space<vmem>>
    tpu.wait_dma2 semaphore(%arg7 : memref<!tpu.dma_semaphore, #tpu.memory_space<semaphore_mem>>) src(%dma_wait3A_462 : memref<56x1024xf32, #tpu.memory_space<vmem>>) dst(%dma_wait3A_459 : memref<56x1024xf32, #tpu.memory_space<hbm>>)
    %dma_wait3A_463 = arith.constant 0 : i32
    %dma_wait3A_464 = arith.constant 0 : i32
    %dma_wait3A_465 = tpu.memref_slice %arg5[%dma_wait3A_463, %dma_wait3A_464] : memref<56x1024xf32, #tpu.memory_space<vmem>> -> memref<56x1024xf32, #tpu.memory_space<vmem>>
    %dma_wait3A_466 = arith.constant 0 : i32
    %dma_wait3A_467 = tpu.memref_slice %arg3[%add3A_418, %dma_wait3A_466] : memref<32768x1024xf32, #tpu.memory_space<hbm>> -> memref<56x1024xf32, #tpu.memory_space<hbm>>
    %dma_wait3A_468 = arith.constant 0 : i32
    %dma_wait3A_469 = tpu.memref_slice %arg3[%add3A_418, %dma_wait3A_468] : memref<32768x1024xf32, #tpu.memory_space<hbm>> -> memref<56x1024xf32, #tpu.memory_space<hbm>>
    %dma_wait3A_470 = arith.constant 0 : i32
    %dma_wait3A_471 = arith.constant 0 : i32
    %dma_wait3A_472 = tpu.memref_slice %arg5[%dma_wait3A_470, %dma_wait3A_471] : memref<56x1024xf32, #tpu.memory_space<vmem>> -> memref<56x1024xf32, #tpu.memory_space<vmem>>
    tpu.wait_dma2 semaphore(%arg7 : memref<!tpu.dma_semaphore, #tpu.memory_space<semaphore_mem>>) src(%dma_wait3A_472 : memref<56x1024xf32, #tpu.memory_space<vmem>>) dst(%dma_wait3A_469 : memref<56x1024xf32, #tpu.memory_space<hbm>>)
    %dma_wait3A_473 = arith.constant 0 : i32
    %dma_wait3A_474 = arith.constant 0 : i32
    %dma_wait3A_475 = tpu.memref_slice %arg5[%dma_wait3A_473, %dma_wait3A_474] : memref<56x1024xf32, #tpu.memory_space<vmem>> -> memref<56x1024xf32, #tpu.memory_space<vmem>>
    %dma_wait3A_476 = arith.constant 0 : i32
    %dma_wait3A_477 = tpu.memref_slice %arg3[%add3A_432, %dma_wait3A_476] : memref<32768x1024xf32, #tpu.memory_space<hbm>> -> memref<56x1024xf32, #tpu.memory_space<hbm>>
    %dma_wait3A_478 = arith.constant 0 : i32
    %dma_wait3A_479 = tpu.memref_slice %arg3[%add3A_432, %dma_wait3A_478] : memref<32768x1024xf32, #tpu.memory_space<hbm>> -> memref<56x1024xf32, #tpu.memory_space<hbm>>
    %dma_wait3A_480 = arith.constant 0 : i32
    %dma_wait3A_481 = arith.constant 0 : i32
    %dma_wait3A_482 = tpu.memref_slice %arg5[%dma_wait3A_480, %dma_wait3A_481] : memref<56x1024xf32, #tpu.memory_space<vmem>> -> memref<56x1024xf32, #tpu.memory_space<vmem>>
    tpu.wait_dma2 semaphore(%arg7 : memref<!tpu.dma_semaphore, #tpu.memory_space<semaphore_mem>>) src(%dma_wait3A_482 : memref<56x1024xf32, #tpu.memory_space<vmem>>) dst(%dma_wait3A_479 : memref<56x1024xf32, #tpu.memory_space<hbm>>)
    %dma_wait3A_483 = arith.constant 0 : i32
    %dma_wait3A_484 = arith.constant 0 : i32
    %dma_wait3A_485 = tpu.memref_slice %arg4[%dma_wait3A_483, %dma_wait3A_484] : memref<56x1024xf32, #tpu.memory_space<vmem>> -> memref<32x1024xf32, #tpu.memory_space<vmem>>
    %dma_wait3A_486 = arith.constant 0 : i32
    %dma_wait3A_487 = tpu.memref_slice %arg2[%add3A_366, %dma_wait3A_486] : memref<8192x1024xf32, #tpu.memory_space<hbm>> -> memref<32x1024xf32, #tpu.memory_space<hbm>>
    %dma_wait3A_488 = arith.constant 0 : i32
    %dma_wait3A_489 = arith.constant 0 : i32
    %dma_wait3A_490 = tpu.memref_slice %arg4[%dma_wait3A_488, %dma_wait3A_489] : memref<56x1024xf32, #tpu.memory_space<vmem>> -> memref<32x1024xf32, #tpu.memory_space<vmem>>
    %dma_wait3A_491 = arith.constant 0 : i32
    %dma_wait3A_492 = tpu.memref_slice %arg2[%add3A_366, %dma_wait3A_491] : memref<8192x1024xf32, #tpu.memory_space<hbm>> -> memref<32x1024xf32, #tpu.memory_space<hbm>>
    tpu.wait_dma2 semaphore(%arg6 : memref<!tpu.dma_semaphore, #tpu.memory_space<semaphore_mem>>) src(%dma_wait3A_492 : memref<32x1024xf32, #tpu.memory_space<hbm>>) dst(%dma_wait3A_490 : memref<32x1024xf32, #tpu.memory_space<vmem>>)
    %add3A_493 = arith.constant 0 : i32
    %add3A_494 = arith.addi %add3A_493, %mul3A_2 : i32
    %add3A_495 = arith.constant 224 : i32
    %add3A_496 = arith.addi %add3A_494, %add3A_495 : i32
    %dma_start3A_497 = arith.constant 0 : i32
    %dma_start3A_498 = arith.constant 0 : i32
    %dma_start3A_499 = tpu.memref_slice %arg4[%dma_start3A_497, %dma_start3A_498] : memref<56x1024xf32, #tpu.memory_space<vmem>> -> memref<32x1024xf32, #tpu.memory_space<vmem>>
    %dma_start3A_500 = arith.constant 0 : i32
    %dma_start3A_501 = tpu.memref_slice %arg3[%add3A_496, %dma_start3A_500] : memref<32768x1024xf32, #tpu.memory_space<hbm>> -> memref<32x1024xf32, #tpu.memory_space<hbm>>
    %dma_start3A_502 = arith.constant 0 : i32
    %dma_start3A_503 = tpu.memref_slice %arg3[%add3A_496, %dma_start3A_502] : memref<32768x1024xf32, #tpu.memory_space<hbm>> -> memref<32x1024xf32, #tpu.memory_space<hbm>>
    %dma_start3A_504 = arith.constant 0 : i32
    %dma_start3A_505 = arith.constant 0 : i32
    %dma_start3A_506 = tpu.memref_slice %arg4[%dma_start3A_504, %dma_start3A_505] : memref<56x1024xf32, #tpu.memory_space<vmem>> -> memref<32x1024xf32, #tpu.memory_space<vmem>>
    tpu.enqueue_dma source(%dma_start3A_506 : memref<32x1024xf32, #tpu.memory_space<vmem>>) target(%dma_start3A_503 : memref<32x1024xf32, #tpu.memory_space<hbm>>) target_semaphore(%arg7 : memref<!tpu.dma_semaphore, #tpu.memory_space<semaphore_mem>>)
    %add3A_507 = arith.constant 8192 : i32
    %add3A_508 = arith.addi %add3A_507, %mul3A_2 : i32
    %add3A_509 = arith.constant 224 : i32
    %add3A_510 = arith.addi %add3A_508, %add3A_509 : i32
    %dma_start3A_511 = arith.constant 0 : i32
    %dma_start3A_512 = arith.constant 0 : i32
    %dma_start3A_513 = tpu.memref_slice %arg4[%dma_start3A_511, %dma_start3A_512] : memref<56x1024xf32, #tpu.memory_space<vmem>> -> memref<32x1024xf32, #tpu.memory_space<vmem>>
    %dma_start3A_514 = arith.constant 0 : i32
    %dma_start3A_515 = tpu.memref_slice %arg3[%add3A_510, %dma_start3A_514] : memref<32768x1024xf32, #tpu.memory_space<hbm>> -> memref<32x1024xf32, #tpu.memory_space<hbm>>
    %dma_start3A_516 = arith.constant 0 : i32
    %dma_start3A_517 = tpu.memref_slice %arg3[%add3A_510, %dma_start3A_516] : memref<32768x1024xf32, #tpu.memory_space<hbm>> -> memref<32x1024xf32, #tpu.memory_space<hbm>>
    %dma_start3A_518 = arith.constant 0 : i32
    %dma_start3A_519 = arith.constant 0 : i32
    %dma_start3A_520 = tpu.memref_slice %arg4[%dma_start3A_518, %dma_start3A_519] : memref<56x1024xf32, #tpu.memory_space<vmem>> -> memref<32x1024xf32, #tpu.memory_space<vmem>>
    tpu.enqueue_dma source(%dma_start3A_520 : memref<32x1024xf32, #tpu.memory_space<vmem>>) target(%dma_start3A_517 : memref<32x1024xf32, #tpu.memory_space<hbm>>) target_semaphore(%arg7 : memref<!tpu.dma_semaphore, #tpu.memory_space<semaphore_mem>>)
    %add3A_521 = arith.constant 16384 : i32
    %add3A_522 = arith.addi %add3A_521, %mul3A_2 : i32
    %add3A_523 = arith.constant 224 : i32
    %add3A_524 = arith.addi %add3A_522, %add3A_523 : i32
    %dma_start3A_525 = arith.constant 0 : i32
    %dma_start3A_526 = arith.constant 0 : i32
    %dma_start3A_527 = tpu.memref_slice %arg4[%dma_start3A_525, %dma_start3A_526] : memref<56x1024xf32, #tpu.memory_space<vmem>> -> memref<32x1024xf32, #tpu.memory_space<vmem>>
    %dma_start3A_528 = arith.constant 0 : i32
    %dma_start3A_529 = tpu.memref_slice %arg3[%add3A_524, %dma_start3A_528] : memref<32768x1024xf32, #tpu.memory_space<hbm>> -> memref<32x1024xf32, #tpu.memory_space<hbm>>
    %dma_start3A_530 = arith.constant 0 : i32
    %dma_start3A_531 = tpu.memref_slice %arg3[%add3A_524, %dma_start3A_530] : memref<32768x1024xf32, #tpu.memory_space<hbm>> -> memref<32x1024xf32, #tpu.memory_space<hbm>>
    %dma_start3A_532 = arith.constant 0 : i32
    %dma_start3A_533 = arith.constant 0 : i32
    %dma_start3A_534 = tpu.memref_slice %arg4[%dma_start3A_532, %dma_start3A_533] : memref<56x1024xf32, #tpu.memory_space<vmem>> -> memref<32x1024xf32, #tpu.memory_space<vmem>>
    tpu.enqueue_dma source(%dma_start3A_534 : memref<32x1024xf32, #tpu.memory_space<vmem>>) target(%dma_start3A_531 : memref<32x1024xf32, #tpu.memory_space<hbm>>) target_semaphore(%arg7 : memref<!tpu.dma_semaphore, #tpu.memory_space<semaphore_mem>>)
    %add3A_535 = arith.constant 24576 : i32
    %add3A_536 = arith.addi %add3A_535, %mul3A_2 : i32
    %add3A_537 = arith.constant 224 : i32
    %add3A_538 = arith.addi %add3A_536, %add3A_537 : i32
    %dma_start3A_539 = arith.constant 0 : i32
    %dma_start3A_540 = arith.constant 0 : i32
    %dma_start3A_541 = tpu.memref_slice %arg4[%dma_start3A_539, %dma_start3A_540] : memref<56x1024xf32, #tpu.memory_space<vmem>> -> memref<32x1024xf32, #tpu.memory_space<vmem>>
    %dma_start3A_542 = arith.constant 0 : i32
    %dma_start3A_543 = tpu.memref_slice %arg3[%add3A_538, %dma_start3A_542] : memref<32768x1024xf32, #tpu.memory_space<hbm>> -> memref<32x1024xf32, #tpu.memory_space<hbm>>
    %dma_start3A_544 = arith.constant 0 : i32
    %dma_start3A_545 = tpu.memref_slice %arg3[%add3A_538, %dma_start3A_544] : memref<32768x1024xf32, #tpu.memory_space<hbm>> -> memref<32x1024xf32, #tpu.memory_space<hbm>>
    %dma_start3A_546 = arith.constant 0 : i32
    %dma_start3A_547 = arith.constant 0 : i32
    %dma_start3A_548 = tpu.memref_slice %arg4[%dma_start3A_546, %dma_start3A_547] : memref<56x1024xf32, #tpu.memory_space<vmem>> -> memref<32x1024xf32, #tpu.memory_space<vmem>>
    tpu.enqueue_dma source(%dma_start3A_548 : memref<32x1024xf32, #tpu.memory_space<vmem>>) target(%dma_start3A_545 : memref<32x1024xf32, #tpu.memory_space<hbm>>) target_semaphore(%arg7 : memref<!tpu.dma_semaphore, #tpu.memory_space<semaphore_mem>>)
    %dma_wait3A_549 = arith.constant 0 : i32
    %dma_wait3A_550 = arith.constant 0 : i32
    %dma_wait3A_551 = tpu.memref_slice %arg4[%dma_wait3A_549, %dma_wait3A_550] : memref<56x1024xf32, #tpu.memory_space<vmem>> -> memref<32x1024xf32, #tpu.memory_space<vmem>>
    %dma_wait3A_552 = arith.constant 0 : i32
    %dma_wait3A_553 = tpu.memref_slice %arg3[%add3A_496, %dma_wait3A_552] : memref<32768x1024xf32, #tpu.memory_space<hbm>> -> memref<32x1024xf32, #tpu.memory_space<hbm>>
    %dma_wait3A_554 = arith.constant 0 : i32
    %dma_wait3A_555 = tpu.memref_slice %arg3[%add3A_496, %dma_wait3A_554] : memref<32768x1024xf32, #tpu.memory_space<hbm>> -> memref<32x1024xf32, #tpu.memory_space<hbm>>
    %dma_wait3A_556 = arith.constant 0 : i32
    %dma_wait3A_557 = arith.constant 0 : i32
    %dma_wait3A_558 = tpu.memref_slice %arg4[%dma_wait3A_556, %dma_wait3A_557] : memref<56x1024xf32, #tpu.memory_space<vmem>> -> memref<32x1024xf32, #tpu.memory_space<vmem>>
    tpu.wait_dma2 semaphore(%arg7 : memref<!tpu.dma_semaphore, #tpu.memory_space<semaphore_mem>>) src(%dma_wait3A_558 : memref<32x1024xf32, #tpu.memory_space<vmem>>) dst(%dma_wait3A_555 : memref<32x1024xf32, #tpu.memory_space<hbm>>)
    %dma_wait3A_559 = arith.constant 0 : i32
    %dma_wait3A_560 = arith.constant 0 : i32
    %dma_wait3A_561 = tpu.memref_slice %arg4[%dma_wait3A_559, %dma_wait3A_560] : memref<56x1024xf32, #tpu.memory_space<vmem>> -> memref<32x1024xf32, #tpu.memory_space<vmem>>
    %dma_wait3A_562 = arith.constant 0 : i32
    %dma_wait3A_563 = tpu.memref_slice %arg3[%add3A_510, %dma_wait3A_562] : memref<32768x1024xf32, #tpu.memory_space<hbm>> -> memref<32x1024xf32, #tpu.memory_space<hbm>>
    %dma_wait3A_564 = arith.constant 0 : i32
    %dma_wait3A_565 = tpu.memref_slice %arg3[%add3A_510, %dma_wait3A_564] : memref<32768x1024xf32, #tpu.memory_space<hbm>> -> memref<32x1024xf32, #tpu.memory_space<hbm>>
    %dma_wait3A_566 = arith.constant 0 : i32
    %dma_wait3A_567 = arith.constant 0 : i32
    %dma_wait3A_568 = tpu.memref_slice %arg4[%dma_wait3A_566, %dma_wait3A_567] : memref<56x1024xf32, #tpu.memory_space<vmem>> -> memref<32x1024xf32, #tpu.memory_space<vmem>>
    tpu.wait_dma2 semaphore(%arg7 : memref<!tpu.dma_semaphore, #tpu.memory_space<semaphore_mem>>) src(%dma_wait3A_568 : memref<32x1024xf32, #tpu.memory_space<vmem>>) dst(%dma_wait3A_565 : memref<32x1024xf32, #tpu.memory_space<hbm>>)
    %dma_wait3A_569 = arith.constant 0 : i32
    %dma_wait3A_570 = arith.constant 0 : i32
    %dma_wait3A_571 = tpu.memref_slice %arg4[%dma_wait3A_569, %dma_wait3A_570] : memref<56x1024xf32, #tpu.memory_space<vmem>> -> memref<32x1024xf32, #tpu.memory_space<vmem>>
    %dma_wait3A_572 = arith.constant 0 : i32
    %dma_wait3A_573 = tpu.memref_slice %arg3[%add3A_524, %dma_wait3A_572] : memref<32768x1024xf32, #tpu.memory_space<hbm>> -> memref<32x1024xf32, #tpu.memory_space<hbm>>
    %dma_wait3A_574 = arith.constant 0 : i32
    %dma_wait3A_575 = tpu.memref_slice %arg3[%add3A_524, %dma_wait3A_574] : memref<32768x1024xf32, #tpu.memory_space<hbm>> -> memref<32x1024xf32, #tpu.memory_space<hbm>>
    %dma_wait3A_576 = arith.constant 0 : i32
    %dma_wait3A_577 = arith.constant 0 : i32
    %dma_wait3A_578 = tpu.memref_slice %arg4[%dma_wait3A_576, %dma_wait3A_577] : memref<56x1024xf32, #tpu.memory_space<vmem>> -> memref<32x1024xf32, #tpu.memory_space<vmem>>
    tpu.wait_dma2 semaphore(%arg7 : memref<!tpu.dma_semaphore, #tpu.memory_space<semaphore_mem>>) src(%dma_wait3A_578 : memref<32x1024xf32, #tpu.memory_space<vmem>>) dst(%dma_wait3A_575 : memref<32x1024xf32, #tpu.memory_space<hbm>>)
    %dma_wait3A_579 = arith.constant 0 : i32
    %dma_wait3A_580 = arith.constant 0 : i32
    %dma_wait3A_581 = tpu.memref_slice %arg4[%dma_wait3A_579, %dma_wait3A_580] : memref<56x1024xf32, #tpu.memory_space<vmem>> -> memref<32x1024xf32, #tpu.memory_space<vmem>>
    %dma_wait3A_582 = arith.constant 0 : i32
    %dma_wait3A_583 = tpu.memref_slice %arg3[%add3A_538, %dma_wait3A_582] : memref<32768x1024xf32, #tpu.memory_space<hbm>> -> memref<32x1024xf32, #tpu.memory_space<hbm>>
    %dma_wait3A_584 = arith.constant 0 : i32
    %dma_wait3A_585 = tpu.memref_slice %arg3[%add3A_538, %dma_wait3A_584] : memref<32768x1024xf32, #tpu.memory_space<hbm>> -> memref<32x1024xf32, #tpu.memory_space<hbm>>
    %dma_wait3A_586 = arith.constant 0 : i32
    %dma_wait3A_587 = arith.constant 0 : i32
    %dma_wait3A_588 = tpu.memref_slice %arg4[%dma_wait3A_586, %dma_wait3A_587] : memref<56x1024xf32, #tpu.memory_space<vmem>> -> memref<32x1024xf32, #tpu.memory_space<vmem>>
    tpu.wait_dma2 semaphore(%arg7 : memref<!tpu.dma_semaphore, #tpu.memory_space<semaphore_mem>>) src(%dma_wait3A_588 : memref<32x1024xf32, #tpu.memory_space<vmem>>) dst(%dma_wait3A_585 : memref<32x1024xf32, #tpu.memory_space<hbm>>)
    return
  }
}

</mosaic_0001>

<sc_bundles>
// kernel: kernel.3.cloned.1.call-start
scs
__scs_entry_jumppad:
0x0: {  	(pc) =	sbr.rel $0x88, $3  }
0x1: {  	(tag) =	ssettag $0x0;
	lr =	simm.s32 $0x1  }
0x2: {  	[smem:$0x3FA0] =	sst lr;
	_ =	strace $0xD0000000  }
0x3: {  	_ = 	snop  }
0x4: {  	_ = 	snop  }
0x5: {  	_ = 	snop  }
0x6: {  	_ = 	snop  }
0x7: {  	_ = 	snop  }
__scs_overlays_trampoline_lowered:
0x8: {  	[smem:$0x3FAF] =	sst s0  }
0x9: {  	[smem:$0x3FB0] =	sst s1  }
0xa: {  	[smem:$0x3FB1] =	sst s2  }
0xb: {  	[smem:$0x3FB2] =	sst s3  }
0xc: {  	[smem:$0x3FB3] =	sst s4  }
0xd: {  	[smem:$0x3FB4] =	sst s5  }
0xe: {  	[smem:$0x3FB5] =	sst s6  }
0xf: {  	[smem:$0x3FB6] =	sst s7  }
0x10: {  	[smem:$0x3FB7] =	sst s8  }
0x11: {  	[smem:$0x3FB8] =	sst s9;
	s0 =	simm.s32 @!p0 $0x0  }
0x12: {  	s1 =	sld [smem:$0x3F9E];
	s0 =	simm.s32 @p0 $0x1  }
0x13: {  	[smem:$0x3FB9] =	sst s0;
	s0 =	simm.s32 @!p1 $0x0  }
0x14: {  	s2 =	sld [smem:$0x3F9D];
	s0 =	simm.s32 @p1 $0x1  }
0x15: {  	[smem:$0x3FBA] =	sst s0;
	s0 =	simm.s32 @!p2 $0x0  }
0x16: {  	s3 =	sld [smem:$0x3FDB];
	s0 =	simm.s32 @p2 $0x1  }
0x17: {  	s4 =	simm.s32 $0x1BF5;
	[smem:$0x3FBC] =	sst s0  }
0x18: {  	s0 =	sld [smem:$0x3F9F];
	_ =	swait.ge [sflag:s4], $0x0  }
0x19: {  	s7 =	sld [smem:$0x3FA0]  }
0x1a: {  	s8 =	sadd.s32 $0xFFFFE003, lr  }
0x1b: {  	s9 =	sadd.s32 $0xFFFFFEF7, lr;
	s5 =	simm.s32 $0xFFFFFFFF;
	p2 =	slt.u32 s8, $0xFFFFF086  }
0x1c: {  	p1 =	slt.u32 s9, $0xF7A;
	s5 =	simm.s32 @!p2 $0x0  }
0x1d: {  	s5 =	simm.s32 @p1 $0x1;
	p0 =	seq.s32 s7, s2  }
0x1e: {  	s7 =	smul.u32 @!p0 $0xF7A, s2;
	p2 =	seq.s32 @!p0 s5, $0x0  }
0x1f: {  	s9 =	smul.u32 $0xF7A, s1;
	s8 =	simm.s32 @!p0 $0x1BF5;
	p2 =	por !p2, p0  }
0x20: {  	[sflag:s8] =	ssyncset.s32 @!p0 $0xFFFFF086;
	s6 =	sadd.s32 @!p0 s3, s7;
	s7 =	simm.s32 @!p0 $0x108  }
0x21: {  	s3 =	sadd.s32 s3, s9;
	s6 =	sadd.s32 @!p0 $0x88, s6;
	s7 =	simm.s32 @p2 $0x1082  }
0x22: {  	[simem:s7], [sflag:s8] =	dma.local @!p0 [hbm:s6], $0xF7A  }
0x23: {  	s9 =	sor.u32 $0xD0000000, s2;
	s6 =	simm.s32 $0x108;
	_ =	swait.ge @!p0 [sflag:s8], $0x0  }
0x24: {  	s3 =	sadd.s32 $0x88, s3;
	s6 =	simm.s32 @!p1 $0x1082;
	[sflag:s4] =	ssyncset.s32 $0xFFFFF086  }
0x25: {  	[simem:s6], [sflag:s4] =	dma.local [hbm:s3], $0xF7A  }
0x26: {  	[smem:$0x3FA0] =	sst s1;
	(tag) =	ssettag s2;
	_ =	strace s9  }
0x27: {  	s1 =	sld [smem:$0x3FB0]  }
0x28: {  	s2 =	sld [smem:$0x3FB1]  }
0x29: {  	s4 =	sld [smem:$0x3FB3]  }
0x2a: {  	p0 =	seq.s32 s5, $0x0;
	s5 =	sld [smem:$0x3FB4]  }
0x2b: {  	s6 =	sld [smem:$0x3FB5]  }
0x2c: {  	s7 =	sld [smem:$0x3FB6]  }
0x2d: {  	s3 =	simm.s32 $0x108;
	s8 =	sld [smem:$0x3FB7]  }
0x2e: {  	s3 =	simm.s32 @!p0 $0x1082;
	s9 =	sld [smem:$0x3FB8]  }
0x2f: {  	lr =	sadd.s32 s0, s3;
	s0 =	sld [smem:$0x3FAF]  }
0x30: {  	s3 =	sld [smem:$0x3FB2]  }
0x31: {  	[smem:$0x3FBB] =	sst s10  }
0x32: {  	s10 =	sld [smem:$0x3FB9];
	_ =	sdelay $0x3  }
0x33: {  	p0 =	seq.s32 s10, $0x1;
	s10 =	sld [smem:$0x3FBB];
	_ =	sdelay $0x3  }
0x34: {  	[smem:$0x3FBB] =	sst s10  }
0x35: {  	s10 =	sld [smem:$0x3FBA];
	_ =	sdelay $0x3  }
0x36: {  	p1 =	seq.s32 s10, $0x1;
	s10 =	sld [smem:$0x3FBB];
	_ =	sdelay $0x3  }
0x37: {  	[smem:$0x3FBB] =	sst s10  }
0x38: {  	s10 =	sld [smem:$0x3FBC]  }
0x39: {  	_ = 	snop;
	(pc) =	sbr.ind lr, $3  }
0x3a: {  	_ = 	snop  }
0x3b: {  	_ = 	snop  }
0x3c: {  	p2 =	seq.s32 s10, $0x1;
	s10 =	sld [smem:$0x3FBB]  }
0x3d: {  	_ =	shalt  }
0x3e: {  	_ =	shalt  }
0x3f: {  	_ =	shalt  }
0x40: {  	_ =	shalt  }
0x41: {  	_ =	shalt  }
0x42: {  	_ =	shalt  }
0x43: {  	_ =	shalt  }
0x44: {  	_ =	shalt  }
0x45: {  	_ =	shalt  }
0x46: {  	_ =	shalt  }
0x47: {  	_ =	shalt  }
0x48: {  	_ =	shalt  }
0x49: {  	_ =	shalt  }
0x4a: {  	_ =	shalt  }
0x4b: {  	_ =	shalt  }
0x4c: {  	_ =	shalt  }
0x4d: {  	_ =	shalt  }
0x4e: {  	_ =	shalt  }
0x4f: {  	_ =	shalt  }
0x50: {  	_ =	shalt  }
0x51: {  	_ =	shalt  }
0x52: {  	_ =	shalt  }
0x53: {  	_ =	shalt  }
0x54: {  	_ =	shalt  }
0x55: {  	_ =	shalt  }
0x56: {  	_ =	shalt  }
0x57: {  	_ =	shalt  }
0x58: {  	_ =	shalt  }
0x59: {  	_ =	shalt  }
0x5a: {  	_ =	shalt  }
0x5b: {  	_ =	shalt  }
0x5c: {  	_ =	shalt  }
0x5d: {  	_ =	shalt  }
0x5e: {  	_ =	shalt  }
0x5f: {  	_ =	shalt  }
0x60: {  	_ =	shalt  }
0x61: {  	_ =	shalt  }
0x62: {  	_ =	shalt  }
0x63: {  	_ =	shalt  }
0x64: {  	_ =	shalt  }
0x65: {  	_ =	shalt  }
0x66: {  	_ =	shalt  }
0x67: {  	_ =	shalt  }
0x68: {  	_ =	shalt  }
0x69: {  	_ =	shalt  }
0x6a: {  	_ =	shalt  }
0x6b: {  	_ =	shalt  }
0x6c: {  	_ =	shalt  }
0x6d: {  	_ =	shalt  }
0x6e: {  	_ =	shalt  }
0x6f: {  	_ =	shalt  }
0x70: {  	_ =	shalt  }
0x71: {  	_ =	shalt  }
0x72: {  	_ =	shalt  }
0x73: {  	_ =	shalt  }
0x74: {  	_ =	shalt  }
0x75: {  	_ =	shalt  }
0x76: {  	_ =	shalt  }
0x77: {  	_ =	shalt  }
0x78: {  	_ =	shalt  }
0x79: {  	_ =	shalt  }
0x7a: {  	_ =	shalt  }
0x7b: {  	_ =	shalt  }
0x7c: {  	_ =	shalt  }
0x7d: {  	_ =	shalt  }
0x7e: {  	_ =	shalt  }
0x7f: {  	_ =	shalt  }
0x80: {  	_ =	shalt  }
0x81: {  	_ =	shalt  }
0x82: {  	_ =	shalt  }
0x83: {  	_ =	shalt  }
0x84: {  	_ =	shalt  }
0x85: {  	_ =	shalt  }
0x86: {  	_ =	shalt  }
0x87: {  	_ =	shalt  }
.Lfunc_end0:
.L_simem_size_0:
called_computation_lowered:
.L_overlay_start_0:
0x88: {  	s2 =	sld [smem:$0x3FD9]  }
0x89: {  	s3 =	sld [smem:$0x3FFE];
	_ =	sdelay $0x1  }
0x8a: {  	s1 =	srdreg.scid  }
0x8b: {  	s0 =	sand.u32 $0x1, s1  }
0x8c: {  	s18 =	sshll.u32 s0, $0xA;
	s2 =	sadd.s32 s3, s2  }
0x8d: {  	s2 =	sadd.s32 s2, s18  }
0x8e: {  	[smem:$0x3FC7] =	sst s2  }
0x8f: {  	_ = 	snop  }
0x90: {  	s2 =	sld [smem:$0x3FC9]  }
0x91: {  	s19 =	sld [smem:$0x3FD0];
	(tm) =	ssettm $0x1  }
0x92: {  	s4 =	sld [smem:$0x3FFB];
	_ =	sdelay $0x3  }
0x93: {  	_ =	strace s4  }
0x94: {  	s4 =	sld [smem:$0x3FFC];
	_ =	sdelay $0x3  }
0x95: {  	_ =	strace s4  }
0x96: {  	s4 =	sld [smem:$0x3FFD];
	_ =	sdelay $0x3  }
0x97: {  	_ =	strace s4  }
0x98: {  	_ =	strace $0x8FFFFFFF  }
0x99: {  	s20 =	sld [smem:$0x3FDB];
	_ =	sdelay $0x1  }
0x9a: {  	s5 =	simm.s32 $_scs_section_size  }
0x9b: {  	s6 =	simm.s32 $_size__tile_overlayer_lowered;
	s7 =	simm.s32 $_tile_overlayer_lowered  }
0x9c: {  	s23 =	simm.s32 $0x1BFF;
	s22 =	sshll.u32 s7, $0x1;
	s4 =	sadd.s32 s5, s20  }
0x9d: {  	s8 =	simm.s32 $0x0;
	s21 =	sshll.u32 s6, $0x1;
	s6 =	sadd.s32 s22, s4  }
0x9e: {  	[timem:s8], [sflag:s23] =	dma.local [hbm:s6], s21  }
0x9f: {  	_ =	swait.ge [sflag:s23], s21  }
0xa0: {  	s5 =	ssub.s32 $0x0, s21;
	[sflag:s23] =	ssyncset.done $0x0  }
0xa1: {  	[sflag:s23] =	ssyncadd.s32 s5;
	_ =	sdelay $0x1  }
0xa2: {  	s24 =	simm.s32 $0x1B8B  }
0xa3: {  	_ =	swait.ge [sflag:s24], $0x1  }
0xa4: {  	[sflag:s24] =	ssyncset.done $0x0  }
0xa5: {  	s25 =	simm.s32 $0x1B8E;
	[sflag:s24] =	ssyncadd.s32 $0xFFFFFFFF  }
0xa6: {  	s26 =	simm.s32 $execute0_lowered;
	[smem:$0x3FD2] =	sst s25  }
0xa7: {  	s5 =	sshll.u32 s26, $0x1;
	_ =	strace $0x80000046;
	[dreg:$0x1] =	wrdreg $0xFFFFFFFF  }
0xa8: {  	s28 =	simm.s32 $_size_execute0_lowered;
	s4 =	sadd.s32 s4, s5;
	[dreg:$0x0] =	wrdreg $0x0  }
0xa9: {  	s5 =	sshll.u32 s28, $0x1;
	[dreg:$0x2] =	wrdreg s4  }
0xaa: {  	[dreg:$0x3] =	wrdreg s5  }
0xab: {  	[dreg:$0x4] =	wrdreg $0xC0  }
0xac: {  	_ =	task [dreg:s8], $0x5FFFF  }
0xad: {  	[dreg:$0x1] =	wrdreg $0xFFFFFFFF  }
0xae: {  	[dreg:$0x0] =	wrdreg $0x60  }
0xaf: {  	[dreg:$0x2] =	wrdreg s2  }
0xb0: {  	[dreg:$0x3] =	wrdreg s19  }
0xb1: {  	[dreg:$0x4] =	wrdreg $0x9  }
0xb2: {  	_ =	task.clear_ibuf [dreg:s8], $0x5FFFF;
	_ =	strace $0x90000046  }
0xb3: {  	s29 =	simm.s32 $0x9;
	_ =	strace $0x80000048  }
0xb4: {  	_ =	swait.ge [sflag:s29], $0x1  }
0xb5: {  	[sflag:s29] =	ssyncadd.s32 $0xFFFFFFFF  }
0xb6: {  	_ =	strace $0x90000048  }
0xb7: {  	_ =	sfence  }
0xb8: {  	s30 =	sld [smem:$0x0];
	_ =	sdelay $0x2  }
0xb9: {  	s31 =	sshll.u32 s1, $0xD;
	s1 =	sshrl.u32 s1, $0x2  }
0xba: {  	s3 =	sand.u32 $0x4000, s31;
	s1 =	sadd.s32 s1, s30  }
0xbb: {  	s0 =	sor.u32 s3, s0;
	s1 =	sshll.u32 s1, $0x11  }
0xbc: {  	s0 =	sor.u32 s1, s0  }
0xbd: {  	s0 =	sadd.s32 $0x8F2B, s0  }
0xbe: {  	[sflag:s0] =	ssyncadd.remote.s32 $0x1  }
0xbf: {  	_ =	sfence.sel $0xFFFF  }
0xc0: {  	[dreg:$0x0] =	wrdreg $0xFFFFFFFF;
	(pc) =	sbr.abs _section_cstart, $3  }
0xc1: {  	[dreg:$0x1] =	wrdreg $0xFFFFFFFF  }
0xc2: {  	_ =	task.clear_ibuf [dreg:s8], $0x2FFFF;
	_ =	strace $0x9FFFFFFF  }
0xc3: {  	(tm) =	ssettm $0x7FFFFFFF  }
tec
execute0_lowered:
.L_overlay_start_1:
0x0: {  	(tag) =	ssettag $0x1  }
0x1: {  	s0 =	rddreg [dreg:$0x0]  }
0x2: {  	s3 =	rddreg [dreg:$0x1]  }
0x3: {  	s2 =	simm.s32 $0x0;
	s4 =	srdreg.scid;
	s1 =	stileid.u32  }
0x4: {  	p0 =	por $0x0, $0x0;
	[smem:$0x7FF] =	sst s2;
	s4 =	sand.u32 $0x1, s4  }
0x5: {  	s6 =	sshll.u32 s1, $0x10;
	s5 =	ssub.s32 $0x2, s4;
	s4 =	sshll.u32 s4, $0xF  }
0x6: {  	_ =	strace $0x80000047;
	s7 =	sshrl.u32 s5, $0x1;
	s4 =	sor.u32 s4, s6  }
0x7: {  	s8 =	ssub.s32 s5, s7;
	s9 =	sadd.s32 s0, s4;
	s10 =	sor.u32 $0x1C00, s4  }
0x8: {  	s25 =	sadd.s32 s3, s4;
	s11 =	sor.u32 $0x3800, s4;
	s12 =	sor.u32 $0x5400, s4  }
0x9: {  	s4 =	sor.u32 $0x7000, s4;
	[dreg:$0x3] =	wrdreg s9;
	s30 =	sadd.s32 s0, s10  }
0xa: {  	s26 =	sadd.s32 $0x100000, s25;
	s28 =	sadd.s32 $0x200000, s25;
	s29 =	sadd.s32 $0x300000, s25  }
0xb: {  	s24 =	sadd.s32 s0, s11;
	s20 =	sadd.s32 $0x101C00, s25;
	s22 =	sadd.s32 s3, s10  }
0xc: {  	s21 =	sadd.s32 $0x201C00, s25;
	s23 =	sadd.s32 $0x301C00, s25;
	s19 =	sadd.s32 s0, s12  }
0xd: {  	s15 =	sadd.s32 $0x103800, s25;
	s17 =	sadd.s32 s3, s11;
	s14 =	smax.u32 s8, $0x1  }
0xe: {  	s16 =	sadd.s32 $0x203800, s25;
	s18 =	sadd.s32 $0x303800, s25;
	p1 =	sne.s32 s14, $0x1  }
.Ltmp0:
0xf: {  	s13 =	sadd.s32 s0, s4;
	s9 =	sadd.s32 $0x105400, s25;
	(pc) =	sbr.rel @!p1 .LBB2_3-.Ltmp0, $4  }
0x10: {  	s12 =	sadd.s32 s3, s12;
	s10 =	sadd.s32 $0x205400, s25;
	s11 =	sadd.s32 $0x305400, s25  }
0x11: {  	s4 =	sadd.s32 s3, s4;
	s5 =	sadd.s32 $0x107000, s25;
	s6 =	sadd.s32 $0x207000, s25  }
0x12: {  	s7 =	sadd.s32 $0x307000, s25;
	s8 =	simm.s32 $0x1;
	s3 =	simm.s32 $0x2  }
0x13: {  	s31 =	sadd.s32 $0xFFFFFFFF, s14;
	s14 =	simm.s32 $0xE000;
	s0 =	rddreg [dreg:$0x3]  }
0x14: {  	[tilespmem:s2], [sflag:$0x1] =	stream.linear.gather [hbm4b:s0+s2], $0xE000, $0x38;
	[tilespmem:$0x1C000] =	vst v63  }
0x15: {  	_ = 	snop  }
0x16: {  	[tilespmem:s14], [sflag:$0x1] =	stream.linear.gather [hbm4b:s30+s2], $0xE000, $0x38;
	[tilespmem:$0x1C000] =	vst v63  }
0x17: {  	_ =	swait.ge [sflag:s8], $0xE000  }
0x18: {  	[sflag:s8] =	ssyncset.done $0x0  }
0x19: {  	[sflag:s8] =	ssyncadd.s32 $0xFFFF2000  }
0x1a: {  	[hbm4b:s25+s2] =	stream.linear.scatter [tilespmem:s2], [sflag:$0x2], $0xE000, $0x38;
	[tilespmem:$0x1C000] =	vst v63  }
0x1b: {  	_ = 	snop  }
0x1c: {  	[hbm4b:s26+s2] =	stream.linear.scatter [tilespmem:s2], [sflag:$0x2], $0xE000, $0x38;
	[tilespmem:$0x1C000] =	vst v63  }
0x1d: {  	_ = 	snop  }
0x1e: {  	[hbm4b:s28+s2] =	stream.linear.scatter [tilespmem:s2], [sflag:$0x2], $0xE000, $0x38;
	[tilespmem:$0x1C000] =	vst v63  }
0x1f: {  	_ = 	snop  }
0x20: {  	[hbm4b:s29+s2] =	stream.linear.scatter [tilespmem:s2], [sflag:$0x2], $0xE000, $0x38;
	[tilespmem:$0x1C000] =	vst v63  }
0x21: {  	_ =	swait.ge [sflag:s3], $0xE000  }
0x22: {  	[sflag:s3] =	ssyncset.done $0x0  }
0x23: {  	[sflag:s3] =	ssyncadd.s32 $0xFFFF2000  }
0x24: {  	_ =	swait.ge [sflag:s3], $0xE000  }
0x25: {  	[sflag:s3] =	ssyncset.done $0x0  }
0x26: {  	[sflag:s3] =	ssyncadd.s32 $0xFFFF2000  }
0x27: {  	_ =	swait.ge [sflag:s3], $0xE000  }
0x28: {  	[sflag:s3] =	ssyncset.done $0x0  }
0x29: {  	[sflag:s3] =	ssyncadd.s32 $0xFFFF2000  }
0x2a: {  	_ =	swait.ge [sflag:s3], $0xE000  }
0x2b: {  	[sflag:s3] =	ssyncset.done $0x0  }
0x2c: {  	[sflag:s3] =	ssyncadd.s32 $0xFFFF2000  }
0x2d: {  	[tilespmem:s2], [sflag:$0x1] =	stream.linear.gather [hbm4b:s24+s2], $0xE000, $0x38;
	[tilespmem:$0x1C000] =	vst v63  }
0x2e: {  	_ =	swait.ge [sflag:s8], $0xE000  }
0x2f: {  	[sflag:s8] =	ssyncset.done $0x0  }
0x30: {  	[sflag:s8] =	ssyncadd.s32 $0xFFFF2000  }
0x31: {  	[hbm4b:s22+s2] =	stream.linear.scatter [tilespmem:s14], [sflag:$0x2], $0xE000, $0x38;
	[tilespmem:$0x1C000] =	vst v63  }
0x32: {  	_ = 	snop  }
0x33: {  	[hbm4b:s20+s2] =	stream.linear.scatter [tilespmem:s14], [sflag:$0x2], $0xE000, $0x38;
	[tilespmem:$0x1C000] =	vst v63  }
0x34: {  	_ = 	snop  }
0x35: {  	[hbm4b:s21+s2] =	stream.linear.scatter [tilespmem:s14], [sflag:$0x2], $0xE000, $0x38;
	[tilespmem:$0x1C000] =	vst v63  }
0x36: {  	_ = 	snop  }
0x37: {  	[hbm4b:s23+s2] =	stream.linear.scatter [tilespmem:s14], [sflag:$0x2], $0xE000, $0x38;
	[tilespmem:$0x1C000] =	vst v63  }
0x38: {  	_ =	swait.ge [sflag:s3], $0xE000  }
0x39: {  	[sflag:s3] =	ssyncset.done $0x0  }
0x3a: {  	[sflag:s3] =	ssyncadd.s32 $0xFFFF2000  }
0x3b: {  	_ =	swait.ge [sflag:s3], $0xE000  }
0x3c: {  	[sflag:s3] =	ssyncset.done $0x0  }
0x3d: {  	[sflag:s3] =	ssyncadd.s32 $0xFFFF2000  }
0x3e: {  	_ =	swait.ge [sflag:s3], $0xE000  }
0x3f: {  	[sflag:s3] =	ssyncset.done $0x0  }
0x40: {  	[sflag:s3] =	ssyncadd.s32 $0xFFFF2000  }
0x41: {  	_ =	swait.ge [sflag:s3], $0xE000  }
0x42: {  	[sflag:s3] =	ssyncset.done $0x0  }
0x43: {  	[sflag:s3] =	ssyncadd.s32 $0xFFFF2000  }
0x44: {  	[tilespmem:s14], [sflag:$0x1] =	stream.linear.gather [hbm4b:s19+s2], $0xE000, $0x38;
	[tilespmem:$0x1C000] =	vst v63  }
0x45: {  	_ =	swait.ge [sflag:s8], $0xE000  }
0x46: {  	[sflag:s8] =	ssyncset.done $0x0  }
0x47: {  	[sflag:s8] =	ssyncadd.s32 $0xFFFF2000  }
0x48: {  	[hbm4b:s17+s2] =	stream.linear.scatter [tilespmem:s2], [sflag:$0x2], $0xE000, $0x38;
	[tilespmem:$0x1C000] =	vst v63  }
0x49: {  	_ = 	snop  }
0x4a: {  	[hbm4b:s15+s2] =	stream.linear.scatter [tilespmem:s2], [sflag:$0x2], $0xE000, $0x38;
	[tilespmem:$0x1C000] =	vst v63  }
0x4b: {  	_ = 	snop  }
0x4c: {  	[hbm4b:s16+s2] =	stream.linear.scatter [tilespmem:s2], [sflag:$0x2], $0xE000, $0x38;
	[tilespmem:$0x1C000] =	vst v63  }
0x4d: {  	_ = 	snop  }
0x4e: {  	[hbm4b:s18+s2] =	stream.linear.scatter [tilespmem:s2], [sflag:$0x2], $0xE000, $0x38;
	[tilespmem:$0x1C000] =	vst v63  }
0x4f: {  	_ =	swait.ge [sflag:s3], $0xE000  }
0x50: {  	[sflag:s3] =	ssyncset.done $0x0  }
0x51: {  	[sflag:s3] =	ssyncadd.s32 $0xFFFF2000  }
0x52: {  	_ =	swait.ge [sflag:s3], $0xE000  }
0x53: {  	[sflag:s3] =	ssyncset.done $0x0  }
0x54: {  	[sflag:s3] =	ssyncadd.s32 $0xFFFF2000  }
0x55: {  	_ =	swait.ge [sflag:s3], $0xE000  }
0x56: {  	[sflag:s3] =	ssyncset.done $0x0  }
0x57: {  	[sflag:s3] =	ssyncadd.s32 $0xFFFF2000  }
0x58: {  	_ =	swait.ge [sflag:s3], $0xE000  }
0x59: {  	[sflag:s3] =	ssyncset.done $0x0  }
0x5a: {  	[sflag:s3] =	ssyncadd.s32 $0xFFFF2000  }
0x5b: {  	[tilespmem:s2], [sflag:$0x1] =	stream.linear.gather [hbm4b:s13+s2], $0x8000, $0x38;
	[tilespmem:$0x1C000] =	vst v63  }
0x5c: {  	_ =	swait.ge [sflag:s8], $0xE000  }
0x5d: {  	[sflag:s8] =	ssyncset.done $0x0  }
0x5e: {  	[sflag:s8] =	ssyncadd.s32 $0xFFFF2000  }
0x5f: {  	[hbm4b:s12+s2] =	stream.linear.scatter [tilespmem:s14], [sflag:$0x2], $0xE000, $0x38;
	[tilespmem:$0x1C000] =	vst v63  }
0x60: {  	_ = 	snop  }
0x61: {  	[hbm4b:s9+s2] =	stream.linear.scatter [tilespmem:s14], [sflag:$0x2], $0xE000, $0x38;
	[tilespmem:$0x1C000] =	vst v63  }
0x62: {  	_ = 	snop  }
0x63: {  	[hbm4b:s10+s2] =	stream.linear.scatter [tilespmem:s14], [sflag:$0x2], $0xE000, $0x38;
	[tilespmem:$0x1C000] =	vst v63  }
0x64: {  	_ = 	snop  }
0x65: {  	[hbm4b:s11+s2] =	stream.linear.scatter [tilespmem:s14], [sflag:$0x2], $0xE000, $0x38;
	[tilespmem:$0x1C000] =	vst v63  }
0x66: {  	_ =	swait.ge [sflag:s3], $0xE000  }
0x67: {  	[sflag:s3] =	ssyncset.done $0x0  }
0x68: {  	[sflag:s3] =	ssyncadd.s32 $0xFFFF2000  }
0x69: {  	_ =	swait.ge [sflag:s3], $0xE000  }
0x6a: {  	[sflag:s3] =	ssyncset.done $0x0  }
0x6b: {  	[sflag:s3] =	ssyncadd.s32 $0xFFFF2000  }
0x6c: {  	_ =	swait.ge [sflag:s3], $0xE000  }
0x6d: {  	[sflag:s3] =	ssyncset.done $0x0  }
0x6e: {  	[sflag:s3] =	ssyncadd.s32 $0xFFFF2000  }
0x6f: {  	_ =	swait.ge [sflag:s3], $0xE000  }
0x70: {  	[sflag:s3] =	ssyncset.done $0x0  }
0x71: {  	[sflag:s3] =	ssyncadd.s32 $0xFFFF2000  }
0x72: {  	_ =	swait.ge [sflag:s8], $0x8000  }
0x73: {  	[sflag:s8] =	ssyncset.done $0x0  }
0x74: {  	[sflag:s8] =	ssyncadd.s32 $0xFFFF8000  }
0x75: {  	[hbm4b:s4+s2] =	stream.linear.scatter [tilespmem:s2], [sflag:$0x2], $0x8000, $0x38;
	[tilespmem:$0x1C000] =	vst v63  }
0x76: {  	_ = 	snop  }
0x77: {  	[hbm4b:s5+s2] =	stream.linear.scatter [tilespmem:s2], [sflag:$0x2], $0x8000, $0x38;
	[tilespmem:$0x1C000] =	vst v63  }
0x78: {  	_ = 	snop  }
0x79: {  	[hbm4b:s6+s2] =	stream.linear.scatter [tilespmem:s2], [sflag:$0x2], $0x8000, $0x38;
	[tilespmem:$0x1C000] =	vst v63  }
0x7a: {  	_ = 	snop  }
0x7b: {  	[hbm4b:s7+s2] =	stream.linear.scatter [tilespmem:s2], [sflag:$0x2], $0x8000, $0x38;
	[tilespmem:$0x1C000] =	vst v63  }
0x7c: {  	_ =	swait.ge [sflag:s3], $0x8000  }
0x7d: {  	[sflag:s3] =	ssyncset.done $0x0  }
0x7e: {  	[sflag:s3] =	ssyncadd.s32 $0xFFFF8000  }
0x7f: {  	_ =	swait.ge [sflag:s3], $0x8000  }
0x80: {  	[sflag:s3] =	ssyncset.done $0x0  }
0x81: {  	p1 =	sne.s32 s31, $0x1;
	[sflag:s3] =	ssyncadd.s32 $0xFFFF8000  }
.Ltmp1:
0x82: {  	_ =	swait.ge [sflag:s3], $0x8000;
	(pc) =	sbr.rel @!p1 .LBB2_3-.Ltmp1, $4  }
0x83: {  	[sflag:s3] =	ssyncset.done $0x0  }
0x84: {  	[sflag:s3] =	ssyncadd.s32 $0xFFFF8000  }
0x85: {  	s31 =	sadd.s32 $0xFFFFFFFF, s31;
	_ =	swait.ge [sflag:s3], $0x8000  }
0x86: {  	p0 =	por $0x1, $0x1;
	s0 =	rddreg [dreg:$0x3];
	[sflag:s3] =	ssyncset.done $0x0  }
.LBB2_2:
0x87: {  	[sflag:s3] =	ssyncadd.s32 $0xFFFF8000  }
0x88: {  	[tilespmem:s2], [sflag:$0x1] =	stream.linear.gather [hbm4b:s0+s2], $0xE000, $0x38;
	[tilespmem:$0x1C000] =	vst v63  }
0x89: {  	_ = 	snop  }
0x8a: {  	[tilespmem:s14], [sflag:$0x1] =	stream.linear.gather [hbm4b:s30+s2], $0xE000, $0x38;
	[tilespmem:$0x1C000] =	vst v63  }
0x8b: {  	_ =	swait.ge [sflag:s8], $0xE000  }
0x8c: {  	[sflag:s8] =	ssyncset.done $0x0  }
0x8d: {  	[sflag:s8] =	ssyncadd.s32 $0xFFFF2000  }
0x8e: {  	[hbm4b:s25+s2] =	stream.linear.scatter [tilespmem:s2], [sflag:$0x2], $0xE000, $0x38;
	[tilespmem:$0x1C000] =	vst v63  }
0x8f: {  	_ = 	snop  }
0x90: {  	[hbm4b:s26+s2] =	stream.linear.scatter [tilespmem:s2], [sflag:$0x2], $0xE000, $0x38;
	[tilespmem:$0x1C000] =	vst v63  }
0x91: {  	_ = 	snop  }
0x92: {  	[hbm4b:s28+s2] =	stream.linear.scatter [tilespmem:s2], [sflag:$0x2], $0xE000, $0x38;
	[tilespmem:$0x1C000] =	vst v63  }
0x93: {  	_ = 	snop  }
0x94: {  	[hbm4b:s29+s2] =	stream.linear.scatter [tilespmem:s2], [sflag:$0x2], $0xE000, $0x38;
	[tilespmem:$0x1C000] =	vst v63  }
0x95: {  	_ =	swait.ge [sflag:s3], $0xE000  }
0x96: {  	[sflag:s3] =	ssyncset.done $0x0  }
0x97: {  	[sflag:s3] =	ssyncadd.s32 $0xFFFF2000  }
0x98: {  	_ =	swait.ge [sflag:s3], $0xE000  }
0x99: {  	[sflag:s3] =	ssyncset.done $0x0  }
0x9a: {  	[sflag:s3] =	ssyncadd.s32 $0xFFFF2000  }
0x9b: {  	_ =	swait.ge [sflag:s3], $0xE000  }
0x9c: {  	[sflag:s3] =	ssyncset.done $0x0  }
0x9d: {  	[sflag:s3] =	ssyncadd.s32 $0xFFFF2000  }
0x9e: {  	_ =	swait.ge [sflag:s3], $0xE000  }
0x9f: {  	[sflag:s3] =	ssyncset.done $0x0  }
0xa0: {  	[sflag:s3] =	ssyncadd.s32 $0xFFFF2000  }
0xa1: {  	[tilespmem:s2], [sflag:$0x1] =	stream.linear.gather [hbm4b:s24+s2], $0xE000, $0x38;
	[tilespmem:$0x1C000] =	vst v63  }
0xa2: {  	_ =	swait.ge [sflag:s8], $0xE000  }
0xa3: {  	[sflag:s8] =	ssyncset.done $0x0  }
0xa4: {  	[sflag:s8] =	ssyncadd.s32 $0xFFFF2000  }
0xa5: {  	[hbm4b:s22+s2] =	stream.linear.scatter [tilespmem:s14], [sflag:$0x2], $0xE000, $0x38;
	[tilespmem:$0x1C000] =	vst v63  }
0xa6: {  	_ = 	snop  }
0xa7: {  	[hbm4b:s20+s2] =	stream.linear.scatter [tilespmem:s14], [sflag:$0x2], $0xE000, $0x38;
	[tilespmem:$0x1C000] =	vst v63  }
0xa8: {  	_ = 	snop  }
0xa9: {  	[hbm4b:s21+s2] =	stream.linear.scatter [tilespmem:s14], [sflag:$0x2], $0xE000, $0x38;
	[tilespmem:$0x1C000] =	vst v63  }
0xaa: {  	_ = 	snop  }
0xab: {  	[hbm4b:s23+s2] =	stream.linear.scatter [tilespmem:s14], [sflag:$0x2], $0xE000, $0x38;
	[tilespmem:$0x1C000] =	vst v63  }
0xac: {  	_ =	swait.ge [sflag:s3], $0xE000  }
0xad: {  	[sflag:s3] =	ssyncset.done $0x0  }
0xae: {  	[sflag:s3] =	ssyncadd.s32 $0xFFFF2000  }
0xaf: {  	_ =	swait.ge [sflag:s3], $0xE000  }
0xb0: {  	[sflag:s3] =	ssyncset.done $0x0  }
0xb1: {  	[sflag:s3] =	ssyncadd.s32 $0xFFFF2000  }
0xb2: {  	_ =	swait.ge [sflag:s3], $0xE000  }
0xb3: {  	[sflag:s3] =	ssyncset.done $0x0  }
0xb4: {  	[sflag:s3] =	ssyncadd.s32 $0xFFFF2000  }
0xb5: {  	_ =	swait.ge [sflag:s3], $0xE000  }
0xb6: {  	[sflag:s3] =	ssyncset.done $0x0  }
0xb7: {  	[sflag:s3] =	ssyncadd.s32 $0xFFFF2000  }
0xb8: {  	[tilespmem:s14], [sflag:$0x1] =	stream.linear.gather [hbm4b:s19+s2], $0xE000, $0x38;
	[tilespmem:$0x1C000] =	vst v63  }
0xb9: {  	_ =	swait.ge [sflag:s8], $0xE000  }
0xba: {  	[sflag:s8] =	ssyncset.done $0x0  }
0xbb: {  	[sflag:s8] =	ssyncadd.s32 $0xFFFF2000  }
0xbc: {  	[hbm4b:s17+s2] =	stream.linear.scatter [tilespmem:s2], [sflag:$0x2], $0xE000, $0x38;
	[tilespmem:$0x1C000] =	vst v63  }
0xbd: {  	_ = 	snop  }
0xbe: {  	[hbm4b:s15+s2] =	stream.linear.scatter [tilespmem:s2], [sflag:$0x2], $0xE000, $0x38;
	[tilespmem:$0x1C000] =	vst v63  }
0xbf: {  	_ = 	snop  }
0xc0: {  	[hbm4b:s16+s2] =	stream.linear.scatter [tilespmem:s2], [sflag:$0x2], $0xE000, $0x38;
	[tilespmem:$0x1C000] =	vst v63  }
0xc1: {  	_ = 	snop  }
0xc2: {  	[hbm4b:s18+s2] =	stream.linear.scatter [tilespmem:s2], [sflag:$0x2], $0xE000, $0x38;
	[tilespmem:$0x1C000] =	vst v63  }
0xc3: {  	_ =	swait.ge [sflag:s3], $0xE000  }
0xc4: {  	[sflag:s3] =	ssyncset.done $0x0  }
0xc5: {  	[sflag:s3] =	ssyncadd.s32 $0xFFFF2000  }
0xc6: {  	_ =	swait.ge [sflag:s3], $0xE000  }
0xc7: {  	[sflag:s3] =	ssyncset.done $0x0  }
0xc8: {  	[sflag:s3] =	ssyncadd.s32 $0xFFFF2000  }
0xc9: {  	_ =	swait.ge [sflag:s3], $0xE000  }
0xca: {  	[sflag:s3] =	ssyncset.done $0x0  }
0xcb: {  	[sflag:s3] =	ssyncadd.s32 $0xFFFF2000  }
0xcc: {  	_ =	swait.ge [sflag:s3], $0xE000  }
0xcd: {  	[sflag:s3] =	ssyncset.done $0x0  }
0xce: {  	[sflag:s3] =	ssyncadd.s32 $0xFFFF2000  }
0xcf: {  	[tilespmem:s2], [sflag:$0x1] =	stream.linear.gather [hbm4b:s13+s2], $0x8000, $0x38;
	[tilespmem:$0x1C000] =	vst v63  }
0xd0: {  	_ =	swait.ge [sflag:s8], $0xE000  }
0xd1: {  	[sflag:s8] =	ssyncset.done $0x0  }
0xd2: {  	[sflag:s8] =	ssyncadd.s32 $0xFFFF2000  }
0xd3: {  	[hbm4b:s12+s2] =	stream.linear.scatter [tilespmem:s14], [sflag:$0x2], $0xE000, $0x38;
	[tilespmem:$0x1C000] =	vst v63  }
0xd4: {  	_ = 	snop  }
0xd5: {  	[hbm4b:s9+s2] =	stream.linear.scatter [tilespmem:s14], [sflag:$0x2], $0xE000, $0x38;
	[tilespmem:$0x1C000] =	vst v63  }
0xd6: {  	_ = 	snop  }
0xd7: {  	[hbm4b:s10+s2] =	stream.linear.scatter [tilespmem:s14], [sflag:$0x2], $0xE000, $0x38;
	[tilespmem:$0x1C000] =	vst v63  }
0xd8: {  	_ = 	snop  }
0xd9: {  	[hbm4b:s11+s2] =	stream.linear.scatter [tilespmem:s14], [sflag:$0x2], $0xE000, $0x38;
	[tilespmem:$0x1C000] =	vst v63  }
0xda: {  	_ =	swait.ge [sflag:s3], $0xE000  }
0xdb: {  	[sflag:s3] =	ssyncset.done $0x0  }
0xdc: {  	[sflag:s3] =	ssyncadd.s32 $0xFFFF2000  }
0xdd: {  	_ =	swait.ge [sflag:s3], $0xE000  }
0xde: {  	[sflag:s3] =	ssyncset.done $0x0  }
0xdf: {  	[sflag:s3] =	ssyncadd.s32 $0xFFFF2000  }
0xe0: {  	_ =	swait.ge [sflag:s3], $0xE000  }
0xe1: {  	[sflag:s3] =	ssyncset.done $0x0  }
0xe2: {  	[sflag:s3] =	ssyncadd.s32 $0xFFFF2000  }
0xe3: {  	_ =	swait.ge [sflag:s3], $0xE000  }
0xe4: {  	[sflag:s3] =	ssyncset.done $0x0  }
0xe5: {  	[sflag:s3] =	ssyncadd.s32 $0xFFFF2000  }
0xe6: {  	_ =	swait.ge [sflag:s8], $0x8000  }
0xe7: {  	[sflag:s8] =	ssyncset.done $0x0  }
0xe8: {  	[sflag:s8] =	ssyncadd.s32 $0xFFFF8000  }
0xe9: {  	[hbm4b:s4+s2] =	stream.linear.scatter [tilespmem:s2], [sflag:$0x2], $0x8000, $0x38;
	[tilespmem:$0x1C000] =	vst v63  }
0xea: {  	_ = 	snop  }
0xeb: {  	[hbm4b:s5+s2] =	stream.linear.scatter [tilespmem:s2], [sflag:$0x2], $0x8000, $0x38;
	[tilespmem:$0x1C000] =	vst v63  }
0xec: {  	_ = 	snop  }
0xed: {  	[hbm4b:s6+s2] =	stream.linear.scatter [tilespmem:s2], [sflag:$0x2], $0x8000, $0x38;
	[tilespmem:$0x1C000] =	vst v63  }
0xee: {  	_ = 	snop  }
0xef: {  	[hbm4b:s7+s2] =	stream.linear.scatter [tilespmem:s2], [sflag:$0x2], $0x8000, $0x38;
	[tilespmem:$0x1C000] =	vst v63  }
0xf0: {  	_ =	swait.ge [sflag:s3], $0x8000  }
0xf1: {  	[sflag:s3] =	ssyncset.done $0x0  }
0xf2: {  	[sflag:s3] =	ssyncadd.s32 $0xFFFF8000  }
0xf3: {  	_ =	swait.ge [sflag:s3], $0x8000  }
0xf4: {  	[sflag:s3] =	ssyncset.done $0x0  }
0xf5: {  	p1 =	sne.s32 s31, $0x1;
	[sflag:s3] =	ssyncadd.s32 $0xFFFF8000  }
.Ltmp2:
0xf6: {  	_ =	swait.ge [sflag:s3], $0x8000;
	(pc) =	sbr.rel @p1 .LBB2_2-.Ltmp2, $4  }
0xf7: {  	[sflag:s3] =	ssyncset.done $0x0  }
0xf8: {  	[sflag:s3] =	ssyncadd.s32 $0xFFFF8000  }
0xf9: {  	_ =	swait.ge [sflag:s3], $0x8000  }
0xfa: {  	s31 =	sadd.s32 $0xFFFFFFFF, s31;
	s0 =	rddreg [dreg:$0x3];
	[sflag:s3] =	ssyncset.done $0x0  }
.LBB2_3:
0xfb: {  	[sflag:s3] =	ssyncadd.s32 @p0 $0xFFFF8000  }
0xfc: {  	[tilespmem:s2], [sflag:$0x1] =	stream.linear.gather [hbm4b:s0+s2], $0xE000, $0x38;
	[tilespmem:$0x1C000] =	vst v63  }
0xfd: {  	_ = 	snop  }
0xfe: {  	[tilespmem:s14], [sflag:$0x1] =	stream.linear.gather [hbm4b:s30+s2], $0xE000, $0x38;
	[tilespmem:$0x1C000] =	vst v63  }
0xff: {  	_ =	swait.ge [sflag:s8], $0xE000  }
0x100: {  	[sflag:s8] =	ssyncset.done $0x0  }
0x101: {  	[sflag:s8] =	ssyncadd.s32 $0xFFFF2000  }
0x102: {  	[hbm4b:s25+s2] =	stream.linear.scatter [tilespmem:s2], [sflag:$0x2], $0xE000, $0x38;
	[tilespmem:$0x1C000] =	vst v63  }
0x103: {  	_ = 	snop  }
0x104: {  	[hbm4b:s26+s2] =	stream.linear.scatter [tilespmem:s2], [sflag:$0x2], $0xE000, $0x38;
	[tilespmem:$0x1C000] =	vst v63  }
0x105: {  	_ = 	snop  }
0x106: {  	[hbm4b:s28+s2] =	stream.linear.scatter [tilespmem:s2], [sflag:$0x2], $0xE000, $0x38;
	[tilespmem:$0x1C000] =	vst v63  }
0x107: {  	_ = 	snop  }
0x108: {  	[hbm4b:s29+s2] =	stream.linear.scatter [tilespmem:s2], [sflag:$0x2], $0xE000, $0x38;
	[tilespmem:$0x1C000] =	vst v63  }
0x109: {  	_ =	swait.ge [sflag:s3], $0xE000  }
0x10a: {  	[sflag:s3] =	ssyncset.done $0x0  }
0x10b: {  	[sflag:s3] =	ssyncadd.s32 $0xFFFF2000  }
0x10c: {  	_ =	swait.ge [sflag:s3], $0xE000  }
0x10d: {  	[sflag:s3] =	ssyncset.done $0x0  }
0x10e: {  	[sflag:s3] =	ssyncadd.s32 $0xFFFF2000  }
0x10f: {  	_ =	swait.ge [sflag:s3], $0xE000  }
0x110: {  	[sflag:s3] =	ssyncset.done $0x0  }
0x111: {  	[sflag:s3] =	ssyncadd.s32 $0xFFFF2000  }
0x112: {  	_ =	swait.ge [sflag:s3], $0xE000  }
0x113: {  	[sflag:s3] =	ssyncset.done $0x0  }
0x114: {  	[sflag:s3] =	ssyncadd.s32 $0xFFFF2000  }
0x115: {  	[tilespmem:s2], [sflag:$0x1] =	stream.linear.gather [hbm4b:s24+s2], $0xE000, $0x38;
	[tilespmem:$0x1C000] =	vst v63  }
0x116: {  	_ =	swait.ge [sflag:s8], $0xE000  }
0x117: {  	[sflag:s8] =	ssyncset.done $0x0  }
0x118: {  	[sflag:s8] =	ssyncadd.s32 $0xFFFF2000  }
0x119: {  	[hbm4b:s22+s2] =	stream.linear.scatter [tilespmem:s14], [sflag:$0x2], $0xE000, $0x38;
	[tilespmem:$0x1C000] =	vst v63  }
0x11a: {  	_ = 	snop  }
0x11b: {  	[hbm4b:s20+s2] =	stream.linear.scatter [tilespmem:s14], [sflag:$0x2], $0xE000, $0x38;
	[tilespmem:$0x1C000] =	vst v63  }
0x11c: {  	_ = 	snop  }
0x11d: {  	[hbm4b:s21+s2] =	stream.linear.scatter [tilespmem:s14], [sflag:$0x2], $0xE000, $0x38;
	[tilespmem:$0x1C000] =	vst v63  }
0x11e: {  	_ = 	snop  }
0x11f: {  	[hbm4b:s23+s2] =	stream.linear.scatter [tilespmem:s14], [sflag:$0x2], $0xE000, $0x38;
	[tilespmem:$0x1C000] =	vst v63  }
0x120: {  	_ =	swait.ge [sflag:s3], $0xE000  }
0x121: {  	[sflag:s3] =	ssyncset.done $0x0  }
0x122: {  	[sflag:s3] =	ssyncadd.s32 $0xFFFF2000  }
0x123: {  	_ =	swait.ge [sflag:s3], $0xE000  }
0x124: {  	[sflag:s3] =	ssyncset.done $0x0  }
0x125: {  	[sflag:s3] =	ssyncadd.s32 $0xFFFF2000  }
0x126: {  	_ =	swait.ge [sflag:s3], $0xE000  }
0x127: {  	[sflag:s3] =	ssyncset.done $0x0  }
0x128: {  	[sflag:s3] =	ssyncadd.s32 $0xFFFF2000  }
0x129: {  	_ =	swait.ge [sflag:s3], $0xE000  }
0x12a: {  	[sflag:s3] =	ssyncset.done $0x0  }
0x12b: {  	[sflag:s3] =	ssyncadd.s32 $0xFFFF2000  }
0x12c: {  	[tilespmem:s14], [sflag:$0x1] =	stream.linear.gather [hbm4b:s19+s2], $0xE000, $0x38;
	[tilespmem:$0x1C000] =	vst v63  }
0x12d: {  	_ =	swait.ge [sflag:s8], $0xE000  }
0x12e: {  	[sflag:s8] =	ssyncset.done $0x0  }
0x12f: {  	[sflag:s8] =	ssyncadd.s32 $0xFFFF2000  }
0x130: {  	[hbm4b:s17+s2] =	stream.linear.scatter [tilespmem:s2], [sflag:$0x2], $0xE000, $0x38;
	[tilespmem:$0x1C000] =	vst v63  }
0x131: {  	_ = 	snop  }
0x132: {  	[hbm4b:s15+s2] =	stream.linear.scatter [tilespmem:s2], [sflag:$0x2], $0xE000, $0x38;
	[tilespmem:$0x1C000] =	vst v63  }
0x133: {  	_ = 	snop  }
0x134: {  	[hbm4b:s16+s2] =	stream.linear.scatter [tilespmem:s2], [sflag:$0x2], $0xE000, $0x38;
	[tilespmem:$0x1C000] =	vst v63  }
0x135: {  	_ = 	snop  }
0x136: {  	[hbm4b:s18+s2] =	stream.linear.scatter [tilespmem:s2], [sflag:$0x2], $0xE000, $0x38;
	[tilespmem:$0x1C000] =	vst v63  }
0x137: {  	_ =	swait.ge [sflag:s3], $0xE000  }
0x138: {  	[sflag:s3] =	ssyncset.done $0x0  }
0x139: {  	[sflag:s3] =	ssyncadd.s32 $0xFFFF2000  }
0x13a: {  	_ =	swait.ge [sflag:s3], $0xE000  }
0x13b: {  	[sflag:s3] =	ssyncset.done $0x0  }
0x13c: {  	[sflag:s3] =	ssyncadd.s32 $0xFFFF2000  }
0x13d: {  	_ =	swait.ge [sflag:s3], $0xE000  }
0x13e: {  	[sflag:s3] =	ssyncset.done $0x0  }
0x13f: {  	[sflag:s3] =	ssyncadd.s32 $0xFFFF2000  }
0x140: {  	_ =	swait.ge [sflag:s3], $0xE000  }
0x141: {  	[sflag:s3] =	ssyncset.done $0x0  }
0x142: {  	[sflag:s3] =	ssyncadd.s32 $0xFFFF2000  }
0x143: {  	[tilespmem:s2], [sflag:$0x1] =	stream.linear.gather [hbm4b:s13+s2], $0x8000, $0x38;
	[tilespmem:$0x1C000] =	vst v63  }
0x144: {  	_ =	swait.ge [sflag:s8], $0xE000  }
0x145: {  	[sflag:s8] =	ssyncset.done $0x0  }
0x146: {  	[sflag:s8] =	ssyncadd.s32 $0xFFFF2000  }
0x147: {  	[hbm4b:s12+s2] =	stream.linear.scatter [tilespmem:s14], [sflag:$0x2], $0xE000, $0x38;
	[tilespmem:$0x1C000] =	vst v63  }
0x148: {  	_ = 	snop  }
0x149: {  	[hbm4b:s9+s2] =	stream.linear.scatter [tilespmem:s14], [sflag:$0x2], $0xE000, $0x38;
	[tilespmem:$0x1C000] =	vst v63  }
0x14a: {  	_ = 	snop  }
0x14b: {  	[hbm4b:s10+s2] =	stream.linear.scatter [tilespmem:s14], [sflag:$0x2], $0xE000, $0x38;
	[tilespmem:$0x1C000] =	vst v63  }
0x14c: {  	_ = 	snop  }
0x14d: {  	[hbm4b:s11+s2] =	stream.linear.scatter [tilespmem:s14], [sflag:$0x2], $0xE000, $0x38;
	[tilespmem:$0x1C000] =	vst v63  }
0x14e: {  	_ =	swait.ge [sflag:s3], $0xE000  }
0x14f: {  	[sflag:s3] =	ssyncset.done $0x0  }
0x150: {  	[sflag:s3] =	ssyncadd.s32 $0xFFFF2000  }
0x151: {  	_ =	swait.ge [sflag:s3], $0xE000  }
0x152: {  	[sflag:s3] =	ssyncset.done $0x0  }
0x153: {  	[sflag:s3] =	ssyncadd.s32 $0xFFFF2000  }
0x154: {  	_ =	swait.ge [sflag:s3], $0xE000  }
0x155: {  	[sflag:s3] =	ssyncset.done $0x0  }
0x156: {  	[sflag:s3] =	ssyncadd.s32 $0xFFFF2000  }
0x157: {  	_ =	swait.ge [sflag:s3], $0xE000  }
0x158: {  	[sflag:s3] =	ssyncset.done $0x0  }
0x159: {  	[sflag:s3] =	ssyncadd.s32 $0xFFFF2000  }
0x15a: {  	_ =	swait.ge [sflag:s8], $0x8000  }
0x15b: {  	[sflag:s8] =	ssyncset.done $0x0  }
0x15c: {  	[sflag:s8] =	ssyncadd.s32 $0xFFFF8000  }
0x15d: {  	[hbm4b:s4+s2] =	stream.linear.scatter [tilespmem:s2], [sflag:$0x2], $0x8000, $0x38;
	[tilespmem:$0x1C000] =	vst v63  }
0x15e: {  	_ = 	snop  }
0x15f: {  	[hbm4b:s5+s2] =	stream.linear.scatter [tilespmem:s2], [sflag:$0x2], $0x8000, $0x38;
	[tilespmem:$0x1C000] =	vst v63  }
0x160: {  	_ = 	snop  }
0x161: {  	[hbm4b:s6+s2] =	stream.linear.scatter [tilespmem:s2], [sflag:$0x2], $0x8000, $0x38;
	[tilespmem:$0x1C000] =	vst v63  }
0x162: {  	_ = 	snop  }
0x163: {  	[hbm4b:s7+s2] =	stream.linear.scatter [tilespmem:s2], [sflag:$0x2], $0x8000, $0x38;
	[tilespmem:$0x1C000] =	vst v63  }
0x164: {  	_ =	swait.ge [sflag:s3], $0x8000  }
0x165: {  	[sflag:s3] =	ssyncset.done $0x0  }
0x166: {  	[sflag:s3] =	ssyncadd.s32 $0xFFFF8000  }
0x167: {  	_ =	swait.ge [sflag:s3], $0x8000  }
0x168: {  	[sflag:s3] =	ssyncset.done $0x0  }
0x169: {  	[sflag:s3] =	ssyncadd.s32 $0xFFFF8000  }
0x16a: {  	_ =	swait.ge [sflag:s3], $0x8000  }
0x16b: {  	[sflag:s3] =	ssyncset.done $0x0  }
0x16c: {  	[sflag:s3] =	ssyncadd.s32 $0xFFFF8000  }
0x16d: {  	_ =	swait.ge [sflag:s3], $0x8000  }
0x16e: {  	[sflag:s3] =	ssyncset.done $0x0  }
0x16f: {  	[sflag:s3] =	ssyncadd.s32 $0xFFFF8000  }
0x170: {  	_ =	sfence.sel $0x180000  }
0x171: {  	[bflag:$0x0] =	sbarrier.arrive $0xFFFF  }
0x172: {  	_ =	strace $0x90000047  }
0x173: {  	[bflag:$0x2] =	sbarrier.arrive $0xFFFF  }
0x174: {  	p0 =	sne.s32 s1, $0x0;
	s0 =	rddreg [dreg:$0x2]  }
0x175: {  	s0 =	sadd.s32 @!p0 $0x100000, s0  }
0x176: {  	[sflag:s0] =	ssyncadd.tile.s32 @!p0 $0x1;
	_ =	shalt  }
.Lfunc_end2:
_tile_overlayer_lowered:
.L_overlay_start_2:
0x177: {  	(tag) =	ssettag $0x2  }
0x178: {  	s0 =	rddreg [dreg:$0x0];
	s2 =	stileid.u32  }
0x179: {  	s1 =	rddreg [dreg:$0x1];
	p0 =	sne.s32 s2, $0x0  }
0x17a: {  	s3 =	rddreg [dreg:$0x2];
	[bflag:$0x3] =	sbarrier.arrive $0xFFFF;
	s2 =	simm.s32 @!p0 $0x1C03  }
0x17b: {  	[timem:s3], [sflag:s2] =	dma.local @!p0 [hbm:s0], s1  }
0x17c: {  	s0 =	simm.s32 @!p0 $0x3  }
0x17d: {  	_ =	swait.ge @!p0 [sflag:s0], s1  }
0x17e: {  	s1 =	ssub.s32 @!p0 $0x0, s1;
	[sflag:s0] =	ssyncset.done @!p0 $0x0  }
0x17f: {  	[sflag:s0] =	ssyncadd.s32 @!p0 s1  }
0x180: {  	[bflag:$0x3] =	sbarrier.arrive $0xFFFF  }
0x181: {  	_ =	shalt  }

</sc_bundles>
